<compile_context>
chip_gen: v7x
topology: tpu7x:2x2x1
jax: 0.10.2.dev20260603
libtpu: 0.0.44.dev20260713+nightly
codegen_flags: <defaults>
</compile_context>

<pallas_src>
import functools

import jax
import jax.numpy as jnp
from jax import lax
from jax.experimental import pallas as pl
from jax.experimental.pallas import tpu as pltpu
from jax.experimental.pallas import tpu_sc as plsc

F = 26
V = 100000
D = 32
VP = V // 4
NC = 2
NS = 16
NW = NC * NS
CHUNK = 64
RB = 1000


def _repack_body(eye_ref, p4_ref, x_ref, o_ref, zbuf):
    b = pl.program_id(1)

    @pl.when(b == 0)
    def _load():
        zbuf[...] = lax.dot_general(
            x_ref[0], eye_ref[...], (((0,), (0,)), ((), ())),
            preferred_element_type=jnp.float32)

    r0 = pl.multiple_of(b * RB, 8)
    acc = jnp.dot(zbuf[pl.ds(r0, RB), :], p4_ref[0],
                  preferred_element_type=jnp.float32)
    for j in range(1, 4):
        acc += jnp.dot(zbuf[pl.ds(j * VP + r0, RB), :], p4_ref[j],
                       preferred_element_type=jnp.float32)
    o_ref[0] = acc


def _repack(emb_t, eye, p4):
    return pl.pallas_call(
        _repack_body,
        grid=(F, VP // RB),
        in_specs=[
            pl.BlockSpec((D, D), lambda f, b: (0, 0)),
            pl.BlockSpec((4, D, 4 * D), lambda f, b: (0, 0, 0)),
            pl.BlockSpec((1, D, V), lambda f, b: (f, 0, 0),
                         pipeline_mode=pl.Buffered(buffer_count=1)),
        ],
        out_specs=pl.BlockSpec((1, RB, 4 * D), lambda f, b: (f, b, 0)),
        out_shape=jax.ShapeDtypeStruct((F, VP, 4 * D), jnp.float32),
        compiler_params=pltpu.CompilerParams(vmem_limit_bytes=67108864),
        scratch_shapes=[
            pltpu.VMEM((V, D), jnp.float32),
        ],
    )(eye, p4, emb_t)


def _sc_pool(packed, lin2d, idx, idxq):
    nch = idx.shape[1]
    rows_per_w = nch * CHUNK
    B = NW * rows_per_w
    mesh = plsc.VectorSubcoreMesh(
        core_axis_name="c", subcore_axis_name="s", num_cores=NC, num_subcores=NS
    )

    @functools.partial(
        pl.kernel,
        out_type=[
            jax.ShapeDtypeStruct((B, D), jnp.float32),
            jax.ShapeDtypeStruct((B, D), jnp.float32),
            jax.ShapeDtypeStruct((B,), jnp.float32),
        ],
        mesh=mesh,
        compiler_params=pltpu.CompilerParams(
            use_tc_tiling_on_sc=False, needs_layout_passes=False),
        scratch_types=[
            pltpu.VMEM((F, CHUNK), jnp.int32),
            pltpu.VMEM((F, CHUNK), jnp.int32),
            pltpu.VMEM((F, CHUNK, D), jnp.float32),
            pltpu.VMEM((F, CHUNK), jnp.float32),
            pltpu.VMEM((CHUNK, D), jnp.float32),
            pltpu.VMEM((CHUNK, D), jnp.float32),
            pltpu.VMEM((CHUNK,), jnp.float32),
            pltpu.SemaphoreType.DMA,
            pltpu.SemaphoreType.DMA,
        ],
    )
    def sc_kernel(packed_hbm, lin_hbm, idx_hbm, idxq_hbm,
                  s_hbm, q_hbm, l_hbm,
                  idx_v, qbuf, ebuf, lbuf, sv, qv, lv, esem, lsem):
        wid = lax.axis_index("s") * NC + lax.axis_index("c")
        base = wid * rows_per_w

        @pl.loop(0, nch)
        def _chunk(c):
            row0 = base + c * CHUNK
            pltpu.sync_copy(idx_hbm.at[wid, c], idx_v)
            pltpu.sync_copy(idxq_hbm.at[wid, c], qbuf)

            @pl.loop(0, F)
            def _fire(f):
                pltpu.make_async_copy(
                    packed_hbm.at[qbuf.at[f]], ebuf.at[f], esem).start()
                pltpu.make_async_copy(
                    lin_hbm.at[f].at[idx_v.at[f]], lbuf.at[f], lsem).start()

            @pl.loop(0, F)
            def _drain(f):
                pltpu.make_async_copy(
                    packed_hbm.at[qbuf.at[f]], ebuf.at[f], esem).wait()
                pltpu.make_async_copy(
                    lin_hbm.at[f].at[idx_v.at[f]], lbuf.at[f], lsem).wait()

            @pl.loop(0, CHUNK)
            def _row(r):
                s0 = jnp.zeros((16,), jnp.float32)
                s1 = jnp.zeros((16,), jnp.float32)
                q0 = jnp.zeros((16,), jnp.float32)
                q1 = jnp.zeros((16,), jnp.float32)
                for f in range(F):
                    x0 = ebuf[f, r, pl.ds(0, 16)]
                    x1 = ebuf[f, r, pl.ds(16, 16)]
                    s0 += x0
                    s1 += x1
                    q0 += x0 * x0
                    q1 += x1 * x1
                sv[r, pl.ds(0, 16)] = s0
                sv[r, pl.ds(16, 16)] = s1
                qv[r, pl.ds(0, 16)] = q0
                qv[r, pl.ds(16, 16)] = q1

            @pl.loop(0, CHUNK // 16)
            def _lin(g):
                acc = jnp.zeros((16,), jnp.float32)
                for f in range(F):
                    acc += lbuf[f, pl.ds(g * 16, 16)]
                lv[pl.ds(g * 16, 16)] = acc

            pltpu.sync_copy(sv, s_hbm.at[pl.ds(row0, CHUNK)])
            pltpu.sync_copy(qv, q_hbm.at[pl.ds(row0, CHUNK)])
            pltpu.sync_copy(lv, l_hbm.at[pl.ds(row0, CHUNK)])

    return sc_kernel(packed, lin2d, idx, idxq)


def _tc_mlp_body(s_ref, q_ref, l_ref, ds_ref, w1a_ref, w1b_ref, b1_ref,
                 w2_ref, b2_ref, wf_ref, linw_ref, c_ref, o_ref):
    s = s_ref[...]
    q = q_ref[...]
    ds = ds_ref[...]
    bi = 0.5 * (s * s - q)
    h = jnp.dot(bi, w1a_ref[...], preferred_element_type=jnp.float32)
    h += jnp.dot(ds, w1b_ref[...], preferred_element_type=jnp.float32)
    h = jnp.maximum(h + b1_ref[...], 0.0)
    h = jnp.dot(h, w2_ref[...], preferred_element_type=jnp.float32)
    h = jnp.maximum(h + b2_ref[...], 0.0)
    z = jnp.dot(h, wf_ref[...], preferred_element_type=jnp.float32)
    z += jnp.dot(ds, linw_ref[...], preferred_element_type=jnp.float32)
    z += l_ref[...] + c_ref[0, 0]
    o_ref[...] = jax.nn.sigmoid(z)


def _tc_mlp(St, Qt, L, ds_input, W1a, W1b, b1, W2, b2, Wf, lin_W, const):
    B = St.shape[0]
    BM = 1024
    grid = (B // BM,)
    DS = ds_input.shape[1]
    H1 = W2.shape[0]
    H2 = W2.shape[1]
    full = lambda shape: pl.BlockSpec(shape, lambda i: (0, 0))
    return pl.pallas_call(
        _tc_mlp_body,
        grid=grid,
        in_specs=[
            pl.BlockSpec((BM, D), lambda i: (i, 0)),
            pl.BlockSpec((BM, D), lambda i: (i, 0)),
            pl.BlockSpec((BM, 1), lambda i: (i, 0)),
            pl.BlockSpec((BM, DS), lambda i: (i, 0)),
            full((D, H1)),
            full((DS, H1)),
            full((1, H1)),
            full((H1, H2)),
            full((1, H2)),
            full((H2, 1)),
            full((DS, 1)),
            full((1, 1)),
        ],
        out_specs=pl.BlockSpec((BM, 1), lambda i: (i, 0)),
        out_shape=jax.ShapeDtypeStruct((B, 1), jnp.float32),
    )(St, Qt, L, ds_input, W1a, W1b, b1, W2, b2, Wf, lin_W, const)


@jax.jit
def kernel(ds_input, sp_input, emb_tables, lin_tables, lin_W, lin_b,
           W1, b1, W2, b2, Wf, bf):
    B = sp_input.shape[0]
    sp32 = sp_input.astype(jnp.int32)
    nch = B // (NW * CHUNK)
    lay = lambda a: a.reshape(NW, nch, CHUNK, F).transpose(0, 1, 3, 2)
    idx = lay(sp32)
    offs_f = (jnp.arange(F, dtype=jnp.int32) * (4 * VP))[None, :]
    idxq = lay(4 * (sp32 % VP) + sp32 // VP + offs_f)

    emb_t = jnp.transpose(emb_tables, (0, 2, 1))
    eye = jnp.eye(D, dtype=jnp.float32)
    p4 = jnp.stack([jnp.pad(eye, ((0, 0), (j * D, (3 - j) * D)))
                    for j in range(4)])
    packed = _repack(emb_t, eye, p4).reshape(F * VP * 4, D)

    St, Qt, L = _sc_pool(packed, lin_tables.reshape(F, V), idx, idxq)

    W1a = W1[:D]
    W1b = W1[D:]
    const = (bf + lin_b).reshape(1, 1)
    out = _tc_mlp(St, Qt, L.reshape(B, 1), ds_input, W1a, W1b,
                  b1.reshape(1, -1), W2, b2.reshape(1, -1), Wf, lin_W, const)
    return out

# --- scband reference (transcript-rebuilt; emitter-appended) ---
"""Pipeline reference for scband-nfm-50663434224284 (READ-ONLY COPY).

The authoritative reference and input builder live on the scoring server;
editing this copy changes nothing except your own understanding.
"""

import jax, jax.numpy as jnp
import numpy as np

B = 16384
F = 26
V = 100000
D = 32
DS = 13
H1 = 256
H2 = 128


def setup_inputs(seed: int = 0) -> dict:
    key = jax.random.key(seed)
    ks = jax.random.split(key, 12)
    ds_input = jax.random.normal(ks[0], (B, DS), dtype=jnp.float32)
    sp_input = jax.random.randint(ks[1], (B, F), 0, V, dtype=jnp.int64)
    # embedding tables (xavier normal init as in torch code)
    xav = (2.0 / (V + D)) ** 0.5
    emb_tables = jax.random.normal(ks[2], (F, V, D), dtype=jnp.float32) * xav
    lin_tables = jax.random.normal(ks[3], (F, V, 1), dtype=jnp.float32) * 0.01
    # lin_part: Linear(ds_dim, 1)
    lin_W = jax.random.normal(ks[4], (DS, 1), dtype=jnp.float32) * (1.0 / DS ** 0.5)
    lin_b = jnp.zeros((1,), dtype=jnp.float32)
    dnn_in = D + DS
    W1 = jax.random.normal(ks[5], (dnn_in, H1), dtype=jnp.float32) * (1.0 / dnn_in ** 0.5)
    b1 = jnp.zeros((H1,), dtype=jnp.float32)
    W2 = jax.random.normal(ks[6], (H1, H2), dtype=jnp.float32) * (1.0 / H1 ** 0.5)
    b2 = jnp.zeros((H2,), dtype=jnp.float32)
    Wf = jax.random.normal(ks[7], (H2, 1), dtype=jnp.float32) * (1.0 / H2 ** 0.5)
    bf = jnp.zeros((1,), dtype=jnp.float32)
    return {
        "ds_input": ds_input, "sp_input": sp_input,
        "emb_tables": emb_tables, "lin_tables": lin_tables,
        "lin_W": lin_W, "lin_b": lin_b,
        "W1": W1, "b1": b1, "W2": W2, "b2": b2,
        "Wf": Wf, "bf": bf,
    }


def reference(ds_input, sp_input, emb_tables, lin_tables, lin_W, lin_b, W1, b1, W2, b2, Wf, bf):
    n_fields = sp_input.shape[1]
    # per-field embedding gathers (SparseCore-style lookups)
    sp_list = [jnp.take(emb_tables[i], sp_input[:, i], axis=0) for i in range(n_fields)]
    sp_inputs = jnp.stack(sp_list, axis=1)  # [B, F, D]
    lin_list = [jnp.take(lin_tables[i], sp_input[:, i], axis=0) for i in range(n_fields)]  # each [B, 1]
    lin_cat = jnp.concatenate(lin_list, axis=1)  # [B, F]
    lin_output = ds_input @ lin_W + lin_b + jnp.sum(lin_cat, axis=1, keepdims=True)  # [B, 1]
    # bi-interaction pooling: 0.5 * ((sum v)^2 - sum v^2)
    bi_part1 = jnp.power(jnp.sum(sp_inputs, axis=1, keepdims=True), 2)
    bi_part2 = jnp.sum(jnp.power(sp_inputs, 2), axis=1, keepdims=True)
    bi_pooled = jnp.squeeze(0.5 * (bi_part1 - bi_part2), axis=1)  # [B, D]
    # note: original torch code calls dropout but discards the result -> no-op
    dnn_input = jnp.concatenate([bi_pooled, ds_input], axis=1)  # [B, D+DS]
    h = jax.nn.relu(dnn_input @ W1 + b1)
    h = jax.nn.relu(h @ W2 + b2)
    out = jax.nn.sigmoid(h @ Wf + bf + lin_output)
    return out

if __name__ == "__main__":
    import jax
    _d = setup_inputs()
    print(jax.jit(kernel)(*tuple(_d.values())))

</pallas_src>

<mosaic_0001>
#map = affine_map<(d0, d1) -> (0, 0)>
#map1 = affine_map<(d0, d1) -> (0, 0, 0, 0)>
#map2 = affine_map<(d0, d1) -> (0)>
module attributes {stable_mosaic.version = 14 : i64} {
  func.func @sc_kernel(%arg0: i32, %arg1: i32, %arg2: memref<2600000x32xf32, #tpu.memory_space<hbm>>, %arg3: memref<26x100000xf32, #tpu.memory_space<hbm>>, %arg4: memref<32x8x26x64xi32, #tpu.memory_space<hbm>>, %arg5: memref<32x8x26x64xi32, #tpu.memory_space<hbm>>, %arg6: memref<16384x32xf32, #tpu.memory_space<hbm>>, %arg7: memref<16384x32xf32, #tpu.memory_space<hbm>>, %arg8: memref<16384xf32, #tpu.memory_space<hbm>>, %arg9: memref<26x64xi32, #tpu.memory_space<vmem>>, %arg10: memref<26x64xi32, #tpu.memory_space<vmem>>, %arg11: memref<26x64x32xf32, #tpu.memory_space<vmem>>, %arg12: memref<26x64xf32, #tpu.memory_space<vmem>>, %arg13: memref<64x32xf32, #tpu.memory_space<vmem>>, %arg14: memref<64x32xf32, #tpu.memory_space<vmem>>, %arg15: memref<64xf32, #tpu.memory_space<vmem>>, %arg16: memref<!tpu.dma_semaphore, #tpu.memory_space<semaphore_mem>>, %arg17: memref<!tpu.dma_semaphore, #tpu.memory_space<semaphore_mem>>) attributes {dimension_semantics = [#tpu.dimension_semantics<core_parallel>, #tpu.dimension_semantics<subcore_parallel>], iteration_bounds = array<i64: 2, 16>, scalar_prefetch = 0 : i64, scratch_operands = 9 : i64, tpu.core_type = #tpu.core_type<sc_vector_subcore>, window_params = [{transform_indices = #map}, {transform_indices = #map}, {transform_indices = #map1}, {transform_indices = #map1}, {transform_indices = #map}, {transform_indices = #map}, {transform_indices = #map2}]} {
    %mul3A = arith.constant 2 : i32
    %mul3A_0 = arith.muli %arg1, %mul3A : i32
    %add3A = arith.addi %mul3A_0, %arg0 : i32
    %mul3A_1 = arith.constant 512 : i32
    %mul3A_2 = arith.muli %add3A, %mul3A_1 : i32
    %scan3A = arith.constant 0 : i32
    %scan3A_3 = arith.constant 8 : i32
    %scan3A_4 = arith.addi %scan3A, %scan3A_3 : i32
    %scan3A_5 = arith.constant 1 : i32
    scf.for %scan3A_7 = %scan3A to %scan3A_4 step %scan3A_5  : i32 {
      %mul3A_8 = arith.constant 1 : i32
      %mul3A_9 = arith.muli %scan3A_7, %mul3A_8 : i32
      %add3A_10 = arith.constant 0 : i32
      %add3A_11 = arith.addi %add3A_10, %mul3A_9 : i32
      %mul3A_12 = arith.constant 64 : i32
      %mul3A_13 = arith.muli %add3A_11, %mul3A_12 : i32
      %add3A_14 = arith.addi %mul3A_2, %mul3A_13 : i32
      "tpu.region"() ({
        %run_scoped3A = tpu.sem_alloc : memref<!tpu.dma_semaphore, #tpu.memory_space<semaphore_mem>>
        %dma_start3A = arith.constant 0 : i32
        %dma_start3A_35 = arith.constant 0 : i32
        %dma_start3A_36 = tpu.memref_slice %arg4[%add3A, %add3A_11, %dma_start3A, %dma_start3A_35] : memref<32x8x26x64xi32, #tpu.memory_space<hbm>> -> memref<1x1x26x64xi32, #tpu.memory_space<hbm>>
        %dma_start3A_37 = tpu.memref_squeeze %dma_start3A_36 : memref<1x1x26x64xi32, #tpu.memory_space<hbm>> -> memref<26x64xi32, #tpu.memory_space<hbm>>
        %dma_start3A_38 = arith.constant 0 : i32
        %dma_start3A_39 = arith.constant 0 : i32
        %dma_start3A_40 = tpu.memref_slice %arg4[%add3A, %add3A_11, %dma_start3A_38, %dma_start3A_39] : memref<32x8x26x64xi32, #tpu.memory_space<hbm>> -> memref<1x1x26x64xi32, #tpu.memory_space<hbm>>
        %dma_start3A_41 = tpu.memref_squeeze %dma_start3A_40 : memref<1x1x26x64xi32, #tpu.memory_space<hbm>> -> memref<26x64xi32, #tpu.memory_space<hbm>>
        tpu.enqueue_dma source(%dma_start3A_41 : memref<26x64xi32, #tpu.memory_space<hbm>>) target(%arg9 : memref<26x64xi32, #tpu.memory_space<vmem>>) target_semaphore(%run_scoped3A : memref<!tpu.dma_semaphore, #tpu.memory_space<semaphore_mem>>)
        %dma_wait3A = arith.constant 0 : i32
        %dma_wait3A_42 = arith.constant 0 : i32
        %dma_wait3A_43 = tpu.memref_slice %arg4[%add3A, %add3A_11, %dma_wait3A, %dma_wait3A_42] : memref<32x8x26x64xi32, #tpu.memory_space<hbm>> -> memref<1x1x26x64xi32, #tpu.memory_space<hbm>>
        %dma_wait3A_44 = tpu.memref_squeeze %dma_wait3A_43 : memref<1x1x26x64xi32, #tpu.memory_space<hbm>> -> memref<26x64xi32, #tpu.memory_space<hbm>>
        %dma_wait3A_45 = arith.constant 0 : i32
        %dma_wait3A_46 = arith.constant 0 : i32
        %dma_wait3A_47 = tpu.memref_slice %arg4[%add3A, %add3A_11, %dma_wait3A_45, %dma_wait3A_46] : memref<32x8x26x64xi32, #tpu.memory_space<hbm>> -> memref<1x1x26x64xi32, #tpu.memory_space<hbm>>
        %dma_wait3A_48 = tpu.memref_squeeze %dma_wait3A_47 : memref<1x1x26x64xi32, #tpu.memory_space<hbm>> -> memref<26x64xi32, #tpu.memory_space<hbm>>
        tpu.wait_dma2 semaphore(%run_scoped3A : memref<!tpu.dma_semaphore, #tpu.memory_space<semaphore_mem>>) src(%dma_wait3A_48 : memref<26x64xi32, #tpu.memory_space<hbm>>) dst(%arg9 : memref<26x64xi32, #tpu.memory_space<vmem>>)
        tpu.yield
      }) : () -> ()
      "tpu.region"() ({
        %run_scoped3A = tpu.sem_alloc : memref<!tpu.dma_semaphore, #tpu.memory_space<semaphore_mem>>
        %dma_start3A = arith.constant 0 : i32
        %dma_start3A_35 = arith.constant 0 : i32
        %dma_start3A_36 = tpu.memref_slice %arg5[%add3A, %add3A_11, %dma_start3A, %dma_start3A_35] : memref<32x8x26x64xi32, #tpu.memory_space<hbm>> -> memref<1x1x26x64xi32, #tpu.memory_space<hbm>>
        %dma_start3A_37 = tpu.memref_squeeze %dma_start3A_36 : memref<1x1x26x64xi32, #tpu.memory_space<hbm>> -> memref<26x64xi32, #tpu.memory_space<hbm>>
        %dma_start3A_38 = arith.constant 0 : i32
        %dma_start3A_39 = arith.constant 0 : i32
        %dma_start3A_40 = tpu.memref_slice %arg5[%add3A, %add3A_11, %dma_start3A_38, %dma_start3A_39] : memref<32x8x26x64xi32, #tpu.memory_space<hbm>> -> memref<1x1x26x64xi32, #tpu.memory_space<hbm>>
        %dma_start3A_41 = tpu.memref_squeeze %dma_start3A_40 : memref<1x1x26x64xi32, #tpu.memory_space<hbm>> -> memref<26x64xi32, #tpu.memory_space<hbm>>
        tpu.enqueue_dma source(%dma_start3A_41 : memref<26x64xi32, #tpu.memory_space<hbm>>) target(%arg10 : memref<26x64xi32, #tpu.memory_space<vmem>>) target_semaphore(%run_scoped3A : memref<!tpu.dma_semaphore, #tpu.memory_space<semaphore_mem>>)
        %dma_wait3A = arith.constant 0 : i32
        %dma_wait3A_42 = arith.constant 0 : i32
        %dma_wait3A_43 = tpu.memref_slice %arg5[%add3A, %add3A_11, %dma_wait3A, %dma_wait3A_42] : memref<32x8x26x64xi32, #tpu.memory_space<hbm>> -> memref<1x1x26x64xi32, #tpu.memory_space<hbm>>
        %dma_wait3A_44 = tpu.memref_squeeze %dma_wait3A_43 : memref<1x1x26x64xi32, #tpu.memory_space<hbm>> -> memref<26x64xi32, #tpu.memory_space<hbm>>
        %dma_wait3A_45 = arith.constant 0 : i32
        %dma_wait3A_46 = arith.constant 0 : i32
        %dma_wait3A_47 = tpu.memref_slice %arg5[%add3A, %add3A_11, %dma_wait3A_45, %dma_wait3A_46] : memref<32x8x26x64xi32, #tpu.memory_space<hbm>> -> memref<1x1x26x64xi32, #tpu.memory_space<hbm>>
        %dma_wait3A_48 = tpu.memref_squeeze %dma_wait3A_47 : memref<1x1x26x64xi32, #tpu.memory_space<hbm>> -> memref<26x64xi32, #tpu.memory_space<hbm>>
        tpu.wait_dma2 semaphore(%run_scoped3A : memref<!tpu.dma_semaphore, #tpu.memory_space<semaphore_mem>>) src(%dma_wait3A_48 : memref<26x64xi32, #tpu.memory_space<hbm>>) dst(%arg10 : memref<26x64xi32, #tpu.memory_space<vmem>>)
        tpu.yield
      }) : () -> ()
      %scan3A_15 = arith.constant 0 : i32
      %scan3A_16 = arith.constant 26 : i32
      %scan3A_17 = arith.addi %scan3A_15, %scan3A_16 : i32
      %scan3A_18 = arith.constant 1 : i32
      scf.for %scan3A_35 = %scan3A_15 to %scan3A_17 step %scan3A_18  : i32 {
        %mul3A_36 = arith.constant 1 : i32
        %mul3A_37 = arith.muli %scan3A_35, %mul3A_36 : i32
        %add3A_38 = arith.constant 0 : i32
        %add3A_39 = arith.addi %add3A_38, %mul3A_37 : i32
        %dma_start3A = arith.constant 0 : i32
        %dma_start3A_40 = arith.constant 0 : i32
        %dma_start3A_41 = tpu.memref_slice %arg11[%add3A_39, %dma_start3A, %dma_start3A_40] : memref<26x64x32xf32, #tpu.memory_space<vmem>> -> memref<1x64x32xf32, #tpu.memory_space<vmem>>
        %dma_start3A_42 = tpu.memref_squeeze %dma_start3A_41 : memref<1x64x32xf32, #tpu.memory_space<vmem>> -> memref<64x32xf32, #tpu.memory_space<vmem>>
        %dma_start3A_43 = arith.constant 0 : i32
        %dma_start3A_44 = tpu.memref_slice %arg10[%add3A_39, %dma_start3A_43] : memref<26x64xi32, #tpu.memory_space<vmem>> -> memref<1x64xi32, #tpu.memory_space<vmem>>
        %dma_start3A_45 = tpu.memref_squeeze %dma_start3A_44 : memref<1x64xi32, #tpu.memory_space<vmem>> -> memref<64xi32, #tpu.memory_space<vmem>>
        %dma_start3A_46 = arith.constant 0 : i32
        %dma_start3A_47 = arith.constant 0 : i32
        %dma_start3A_48 = tpu.memref_slice %arg2[%dma_start3A_46, %dma_start3A_47] : memref<2600000x32xf32, #tpu.memory_space<hbm>> -> memref<2600000x32xf32, #tpu.memory_space<hbm>>
        tpu.enqueue_indirect_dma source(%dma_start3A_48 : memref<2600000x32xf32, #tpu.memory_space<hbm>>) target(%dma_start3A_42 : memref<64x32xf32, #tpu.memory_space<vmem>>) offsets(%dma_start3A_45 : memref<64xi32, #tpu.memory_space<vmem>>) semaphore(%arg16 : memref<!tpu.dma_semaphore, #tpu.memory_space<semaphore_mem>>)
        %dma_start3A_49 = arith.constant 0 : i32
        %dma_start3A_50 = tpu.memref_slice %arg12[%add3A_39, %dma_start3A_49] : memref<26x64xf32, #tpu.memory_space<vmem>> -> memref<1x64xf32, #tpu.memory_space<vmem>>
        %dma_start3A_51 = tpu.memref_squeeze %dma_start3A_50 : memref<1x64xf32, #tpu.memory_space<vmem>> -> memref<64xf32, #tpu.memory_space<vmem>>
        %dma_start3A_52 = arith.constant 0 : i32
        %dma_start3A_53 = tpu.memref_slice %arg9[%add3A_39, %dma_start3A_52] : memref<26x64xi32, #tpu.memory_space<vmem>> -> memref<1x64xi32, #tpu.memory_space<vmem>>
        %dma_start3A_54 = tpu.memref_squeeze %dma_start3A_53 : memref<1x64xi32, #tpu.memory_space<vmem>> -> memref<64xi32, #tpu.memory_space<vmem>>
        %dma_start3A_55 = arith.constant 0 : i32
        %dma_start3A_56 = tpu.memref_slice %arg3[%add3A_39, %dma_start3A_55] : memref<26x100000xf32, #tpu.memory_space<hbm>> -> memref<1x100000xf32, #tpu.memory_space<hbm>>
        %dma_start3A_57 = tpu.memref_squeeze %dma_start3A_56 : memref<1x100000xf32, #tpu.memory_space<hbm>> -> memref<100000xf32, #tpu.memory_space<hbm>>
        %dma_start3A_58 = arith.constant 0 : i32
        %dma_start3A_59 = tpu.memref_slice %dma_start3A_57[%dma_start3A_58] : memref<100000xf32, #tpu.memory_space<hbm>> -> memref<100000xf32, #tpu.memory_space<hbm>>
        tpu.enqueue_indirect_dma source(%dma_start3A_59 : memref<100000xf32, #tpu.memory_space<hbm>>) target(%dma_start3A_51 : memref<64xf32, #tpu.memory_space<vmem>>) offsets(%dma_start3A_54 : memref<64xi32, #tpu.memory_space<vmem>>) semaphore(%arg17 : memref<!tpu.dma_semaphore, #tpu.memory_space<semaphore_mem>>)
      }
      %scan3A_19 = arith.constant 26 : i32
      %scan3A_20 = arith.constant 0 : i32
      %scan3A_21 = arith.constant 26 : i32
      %scan3A_22 = arith.addi %scan3A_20, %scan3A_21 : i32
      %scan3A_23 = arith.constant 1 : i32
      scf.for %scan3A_35 = %scan3A_20 to %scan3A_22 step %scan3A_23  : i32 {
        %mul3A_36 = arith.constant 1 : i32
        %mul3A_37 = arith.muli %scan3A_35, %mul3A_36 : i32
        %add3A_38 = arith.constant 0 : i32
        %add3A_39 = arith.addi %add3A_38, %mul3A_37 : i32
        %dma_wait3A = arith.constant 0 : i32
        %dma_wait3A_40 = arith.constant 0 : i32
        %dma_wait3A_41 = tpu.memref_slice %arg11[%add3A_39, %dma_wait3A, %dma_wait3A_40] : memref<26x64x32xf32, #tpu.memory_space<vmem>> -> memref<1x64x32xf32, #tpu.memory_space<vmem>>
        %dma_wait3A_42 = tpu.memref_squeeze %dma_wait3A_41 : memref<1x64x32xf32, #tpu.memory_space<vmem>> -> memref<64x32xf32, #tpu.memory_space<vmem>>
        %dma_wait3A_43 = arith.constant 0 : i32
        %dma_wait3A_44 = tpu.memref_slice %arg10[%add3A_39, %dma_wait3A_43] : memref<26x64xi32, #tpu.memory_space<vmem>> -> memref<1x64xi32, #tpu.memory_space<vmem>>
        %dma_wait3A_45 = tpu.memref_squeeze %dma_wait3A_44 : memref<1x64xi32, #tpu.memory_space<vmem>> -> memref<64xi32, #tpu.memory_space<vmem>>
        %dma_wait3A_46 = arith.constant 0 : i32
        %dma_wait3A_47 = arith.constant 0 : i32
        %dma_wait3A_48 = tpu.memref_slice %arg2[%dma_wait3A_46, %dma_wait3A_47] : memref<2600000x32xf32, #tpu.memory_space<hbm>> -> memref<2600000x32xf32, #tpu.memory_space<hbm>>
        tpu.wait_indirect_dma semaphore(%arg16 : memref<!tpu.dma_semaphore, #tpu.memory_space<semaphore_mem>>) src(%dma_wait3A_48 : memref<2600000x32xf32, #tpu.memory_space<hbm>>) dst(%dma_wait3A_42 : memref<64x32xf32, #tpu.memory_space<vmem>>)
        %dma_wait3A_49 = arith.constant 0 : i32
        %dma_wait3A_50 = tpu.memref_slice %arg12[%add3A_39, %dma_wait3A_49] : memref<26x64xf32, #tpu.memory_space<vmem>> -> memref<1x64xf32, #tpu.memory_space<vmem>>
        %dma_wait3A_51 = tpu.memref_squeeze %dma_wait3A_50 : memref<1x64xf32, #tpu.memory_space<vmem>> -> memref<64xf32, #tpu.memory_space<vmem>>
        %dma_wait3A_52 = arith.constant 0 : i32
        %dma_wait3A_53 = tpu.memref_slice %arg9[%add3A_39, %dma_wait3A_52] : memref<26x64xi32, #tpu.memory_space<vmem>> -> memref<1x64xi32, #tpu.memory_space<vmem>>
        %dma_wait3A_54 = tpu.memref_squeeze %dma_wait3A_53 : memref<1x64xi32, #tpu.memory_space<vmem>> -> memref<64xi32, #tpu.memory_space<vmem>>
        %dma_wait3A_55 = arith.constant 0 : i32
        %dma_wait3A_56 = tpu.memref_slice %arg3[%add3A_39, %dma_wait3A_55] : memref<26x100000xf32, #tpu.memory_space<hbm>> -> memref<1x100000xf32, #tpu.memory_space<hbm>>
        %dma_wait3A_57 = tpu.memref_squeeze %dma_wait3A_56 : memref<1x100000xf32, #tpu.memory_space<hbm>> -> memref<100000xf32, #tpu.memory_space<hbm>>
        %dma_wait3A_58 = arith.constant 0 : i32
        %dma_wait3A_59 = tpu.memref_slice %dma_wait3A_57[%dma_wait3A_58] : memref<100000xf32, #tpu.memory_space<hbm>> -> memref<100000xf32, #tpu.memory_space<hbm>>
        tpu.wait_indirect_dma semaphore(%arg17 : memref<!tpu.dma_semaphore, #tpu.memory_space<semaphore_mem>>) src(%dma_wait3A_59 : memref<100000xf32, #tpu.memory_space<hbm>>) dst(%dma_wait3A_51 : memref<64xf32, #tpu.memory_space<vmem>>)
      }
      %scan3A_24 = arith.constant 26 : i32
      %scan3A_25 = arith.constant 0 : i32
      %scan3A_26 = arith.constant 64 : i32
      %scan3A_27 = arith.addi %scan3A_25, %scan3A_26 : i32
      %scan3A_28 = arith.constant 1 : i32
      scf.for %scan3A_35 = %scan3A_25 to %scan3A_27 step %scan3A_28  : i32 {
        %mul3A_36 = arith.constant 1 : i32
        %mul3A_37 = arith.muli %scan3A_35, %mul3A_36 : i32
        %add3A_38 = arith.constant 0 : i32
        %add3A_39 = arith.addi %add3A_38, %mul3A_37 : i32
        %broadcast_in_dim3A = arith.constant 0.000000e+00 : f32
        %broadcast_in_dim3A_40 = vector.broadcast %broadcast_in_dim3A : f32 to vector<16xf32>
        %broadcast_in_dim3A_41 = arith.constant 0.000000e+00 : f32
        %broadcast_in_dim3A_42 = vector.broadcast %broadcast_in_dim3A_41 : f32 to vector<16xf32>
        %broadcast_in_dim3A_43 = arith.constant 0.000000e+00 : f32
        %broadcast_in_dim3A_44 = vector.broadcast %broadcast_in_dim3A_43 : f32 to vector<16xf32>
        %broadcast_in_dim3A_45 = arith.constant 0.000000e+00 : f32
        %broadcast_in_dim3A_46 = vector.broadcast %broadcast_in_dim3A_45 : f32 to vector<16xf32>
        %get3A = arith.constant 0 : i32
        %get3A_47 = arith.index_cast %get3A : i32 to index
        %get3A_48 = arith.index_cast %add3A_39 : i32 to index
        %get3A_49 = arith.constant 0 : index
        %get3A_50 = tpu.vector_load %arg11[%get3A_47, %get3A_48, %get3A_49] {strides = array<i32>} : memref<26x64x32xf32, #tpu.memory_space<vmem>>, vector<16xf32>,
        %get3A_51 = arith.constant 0 : i32
        %get3A_52 = arith.index_cast %get3A_51 : i32 to index
        %get3A_53 = arith.index_cast %add3A_39 : i32 to index
        %get3A_54 = arith.constant 16 : index
        %get3A_55 = tpu.vector_load %arg11[%get3A_52, %get3A_53, %get3A_54] {strides = array<i32>} : memref<26x64x32xf32, #tpu.memory_space<vmem>>, vector<16xf32>,
        %add3A_56 = arith.addf %broadcast_in_dim3A_40, %get3A_50 : vector<16xf32>
        %add3A_57 = arith.addf %broadcast_in_dim3A_42, %get3A_55 : vector<16xf32>
        %mul3A_58 = arith.mulf %get3A_50, %get3A_50 : vector<16xf32>
        %add3A_59 = arith.addf %broadcast_in_dim3A_44, %mul3A_58 : vector<16xf32>
        %mul3A_60 = arith.mulf %get3A_55, %get3A_55 : vector<16xf32>
        %add3A_61 = arith.addf %broadcast_in_dim3A_46, %mul3A_60 : vector<16xf32>
        %get3A_62 = arith.constant 1 : i32
        %get3A_63 = arith.index_cast %get3A_62 : i32 to index
        %get3A_64 = arith.index_cast %add3A_39 : i32 to index
        %get3A_65 = arith.constant 0 : index
        %get3A_66 = tpu.vector_load %arg11[%get3A_63, %get3A_64, %get3A_65] {strides = array<i32>} : memref<26x64x32xf32, #tpu.memory_space<vmem>>, vector<16xf32>,
        %get3A_67 = arith.constant 1 : i32
        %get3A_68 = arith.index_cast %get3A_67 : i32 to index
        %get3A_69 = arith.index_cast %add3A_39 : i32 to index
        %get3A_70 = arith.constant 16 : index
        %get3A_71 = tpu.vector_load %arg11[%get3A_68, %get3A_69, %get3A_70] {strides = array<i32>} : memref<26x64x32xf32, #tpu.memory_space<vmem>>, vector<16xf32>,
        %add3A_72 = arith.addf %add3A_56, %get3A_66 : vector<16xf32>
        %add3A_73 = arith.addf %add3A_57, %get3A_71 : vector<16xf32>
        %mul3A_74 = arith.mulf %get3A_66, %get3A_66 : vector<16xf32>
        %add3A_75 = arith.addf %add3A_59, %mul3A_74 : vector<16xf32>
        %mul3A_76 = arith.mulf %get3A_71, %get3A_71 : vector<16xf32>
        %add3A_77 = arith.addf %add3A_61, %mul3A_76 : vector<16xf32>
        %get3A_78 = arith.constant 2 : i32
        %get3A_79 = arith.index_cast %get3A_78 : i32 to index
        %get3A_80 = arith.index_cast %add3A_39 : i32 to index
        %get3A_81 = arith.constant 0 : index
        %get3A_82 = tpu.vector_load %arg11[%get3A_79, %get3A_80, %get3A_81] {strides = array<i32>} : memref<26x64x32xf32, #tpu.memory_space<vmem>>, vector<16xf32>,
        %get3A_83 = arith.constant 2 : i32
        %get3A_84 = arith.index_cast %get3A_83 : i32 to index
        %get3A_85 = arith.index_cast %add3A_39 : i32 to index
        %get3A_86 = arith.constant 16 : index
        %get3A_87 = tpu.vector_load %arg11[%get3A_84, %get3A_85, %get3A_86] {strides = array<i32>} : memref<26x64x32xf32, #tpu.memory_space<vmem>>, vector<16xf32>,
        %add3A_88 = arith.addf %add3A_72, %get3A_82 : vector<16xf32>
        %add3A_89 = arith.addf %add3A_73, %get3A_87 : vector<16xf32>
        %mul3A_90 = arith.mulf %get3A_82, %get3A_82 : vector<16xf32>
        %add3A_91 = arith.addf %add3A_75, %mul3A_90 : vector<16xf32>
        %mul3A_92 = arith.mulf %get3A_87, %get3A_87 : vector<16xf32>
        %add3A_93 = arith.addf %add3A_77, %mul3A_92 : vector<16xf32>
        %get3A_94 = arith.constant 3 : i32
        %get3A_95 = arith.index_cast %get3A_94 : i32 to index
        %get3A_96 = arith.index_cast %add3A_39 : i32 to index
        %get3A_97 = arith.constant 0 : index
        %get3A_98 = tpu.vector_load %arg11[%get3A_95, %get3A_96, %get3A_97] {strides = array<i32>} : memref<26x64x32xf32, #tpu.memory_space<vmem>>, vector<16xf32>,
        %get3A_99 = arith.constant 3 : i32
        %get3A_100 = arith.index_cast %get3A_99 : i32 to index
        %get3A_101 = arith.index_cast %add3A_39 : i32 to index
        %get3A_102 = arith.constant 16 : index
        %get3A_103 = tpu.vector_load %arg11[%get3A_100, %get3A_101, %get3A_102] {strides = array<i32>} : memref<26x64x32xf32, #tpu.memory_space<vmem>>, vector<16xf32>,
        %add3A_104 = arith.addf %add3A_88, %get3A_98 : vector<16xf32>
        %add3A_105 = arith.addf %add3A_89, %get3A_103 : vector<16xf32>
        %mul3A_106 = arith.mulf %get3A_98, %get3A_98 : vector<16xf32>
        %add3A_107 = arith.addf %add3A_91, %mul3A_106 : vector<16xf32>
        %mul3A_108 = arith.mulf %get3A_103, %get3A_103 : vector<16xf32>
        %add3A_109 = arith.addf %add3A_93, %mul3A_108 : vector<16xf32>
        %get3A_110 = arith.constant 4 : i32
        %get3A_111 = arith.index_cast %get3A_110 : i32 to index
        %get3A_112 = arith.index_cast %add3A_39 : i32 to index
        %get3A_113 = arith.constant 0 : index
        %get3A_114 = tpu.vector_load %arg11[%get3A_111, %get3A_112, %get3A_113] {strides = array<i32>} : memref<26x64x32xf32, #tpu.memory_space<vmem>>, vector<16xf32>,
        %get3A_115 = arith.constant 4 : i32
        %get3A_116 = arith.index_cast %get3A_115 : i32 to index
        %get3A_117 = arith.index_cast %add3A_39 : i32 to index
        %get3A_118 = arith.constant 16 : index
        %get3A_119 = tpu.vector_load %arg11[%get3A_116, %get3A_117, %get3A_118] {strides = array<i32>} : memref<26x64x32xf32, #tpu.memory_space<vmem>>, vector<16xf32>,
        %add3A_120 = arith.addf %add3A_104, %get3A_114 : vector<16xf32>
        %add3A_121 = arith.addf %add3A_105, %get3A_119 : vector<16xf32>
        %mul3A_122 = arith.mulf %get3A_114, %get3A_114 : vector<16xf32>
        %add3A_123 = arith.addf %add3A_107, %mul3A_122 : vector<16xf32>
        %mul3A_124 = arith.mulf %get3A_119, %get3A_119 : vector<16xf32>
        %add3A_125 = arith.addf %add3A_109, %mul3A_124 : vector<16xf32>
        %get3A_126 = arith.constant 5 : i32
        %get3A_127 = arith.index_cast %get3A_126 : i32 to index
        %get3A_128 = arith.index_cast %add3A_39 : i32 to index
        %get3A_129 = arith.constant 0 : index
        %get3A_130 = tpu.vector_load %arg11[%get3A_127, %get3A_128, %get3A_129] {strides = array<i32>} : memref<26x64x32xf32, #tpu.memory_space<vmem>>, vector<16xf32>,
        %get3A_131 = arith.constant 5 : i32
        %get3A_132 = arith.index_cast %get3A_131 : i32 to index
        %get3A_133 = arith.index_cast %add3A_39 : i32 to index
        %get3A_134 = arith.constant 16 : index
        %get3A_135 = tpu.vector_load %arg11[%get3A_132, %get3A_133, %get3A_134] {strides = array<i32>} : memref<26x64x32xf32, #tpu.memory_space<vmem>>, vector<16xf32>,
        %add3A_136 = arith.addf %add3A_120, %get3A_130 : vector<16xf32>
        %add3A_137 = arith.addf %add3A_121, %get3A_135 : vector<16xf32>
        %mul3A_138 = arith.mulf %get3A_130, %get3A_130 : vector<16xf32>
        %add3A_139 = arith.addf %add3A_123, %mul3A_138 : vector<16xf32>
        %mul3A_140 = arith.mulf %get3A_135, %get3A_135 : vector<16xf32>
        %add3A_141 = arith.addf %add3A_125, %mul3A_140 : vector<16xf32>
        %get3A_142 = arith.constant 6 : i32
        %get3A_143 = arith.index_cast %get3A_142 : i32 to index
        %get3A_144 = arith.index_cast %add3A_39 : i32 to index
        %get3A_145 = arith.constant 0 : index
        %get3A_146 = tpu.vector_load %arg11[%get3A_143, %get3A_144, %get3A_145] {strides = array<i32>} : memref<26x64x32xf32, #tpu.memory_space<vmem>>, vector<16xf32>,
        %get3A_147 = arith.constant 6 : i32
        %get3A_148 = arith.index_cast %get3A_147 : i32 to index
        %get3A_149 = arith.index_cast %add3A_39 : i32 to index
        %get3A_150 = arith.constant 16 : index
        %get3A_151 = tpu.vector_load %arg11[%get3A_148, %get3A_149, %get3A_150] {strides = array<i32>} : memref<26x64x32xf32, #tpu.memory_space<vmem>>, vector<16xf32>,
        %add3A_152 = arith.addf %add3A_136, %get3A_146 : vector<16xf32>
        %add3A_153 = arith.addf %add3A_137, %get3A_151 : vector<16xf32>
        %mul3A_154 = arith.mulf %get3A_146, %get3A_146 : vector<16xf32>
        %add3A_155 = arith.addf %add3A_139, %mul3A_154 : vector<16xf32>
        %mul3A_156 = arith.mulf %get3A_151, %get3A_151 : vector<16xf32>
        %add3A_157 = arith.addf %add3A_141, %mul3A_156 : vector<16xf32>
        %get3A_158 = arith.constant 7 : i32
        %get3A_159 = arith.index_cast %get3A_158 : i32 to index
        %get3A_160 = arith.index_cast %add3A_39 : i32 to index
        %get3A_161 = arith.constant 0 : index
        %get3A_162 = tpu.vector_load %arg11[%get3A_159, %get3A_160, %get3A_161] {strides = array<i32>} : memref<26x64x32xf32, #tpu.memory_space<vmem>>, vector<16xf32>,
        %get3A_163 = arith.constant 7 : i32
        %get3A_164 = arith.index_cast %get3A_163 : i32 to index
        %get3A_165 = arith.index_cast %add3A_39 : i32 to index
        %get3A_166 = arith.constant 16 : index
        %get3A_167 = tpu.vector_load %arg11[%get3A_164, %get3A_165, %get3A_166] {strides = array<i32>} : memref<26x64x32xf32, #tpu.memory_space<vmem>>, vector<16xf32>,
        %add3A_168 = arith.addf %add3A_152, %get3A_162 : vector<16xf32>
        %add3A_169 = arith.addf %add3A_153, %get3A_167 : vector<16xf32>
        %mul3A_170 = arith.mulf %get3A_162, %get3A_162 : vector<16xf32>
        %add3A_171 = arith.addf %add3A_155, %mul3A_170 : vector<16xf32>
        %mul3A_172 = arith.mulf %get3A_167, %get3A_167 : vector<16xf32>
        %add3A_173 = arith.addf %add3A_157, %mul3A_172 : vector<16xf32>
        %get3A_174 = arith.constant 8 : i32
        %get3A_175 = arith.index_cast %get3A_174 : i32 to index
        %get3A_176 = arith.index_cast %add3A_39 : i32 to index
        %get3A_177 = arith.constant 0 : index
        %get3A_178 = tpu.vector_load %arg11[%get3A_175, %get3A_176, %get3A_177] {strides = array<i32>} : memref<26x64x32xf32, #tpu.memory_space<vmem>>, vector<16xf32>,
        %get3A_179 = arith.constant 8 : i32
        %get3A_180 = arith.index_cast %get3A_179 : i32 to index
        %get3A_181 = arith.index_cast %add3A_39 : i32 to index
        %get3A_182 = arith.constant 16 : index
        %get3A_183 = tpu.vector_load %arg11[%get3A_180, %get3A_181, %get3A_182] {strides = array<i32>} : memref<26x64x32xf32, #tpu.memory_space<vmem>>, vector<16xf32>,
        %add3A_184 = arith.addf %add3A_168, %get3A_178 : vector<16xf32>
        %add3A_185 = arith.addf %add3A_169, %get3A_183 : vector<16xf32>
        %mul3A_186 = arith.mulf %get3A_178, %get3A_178 : vector<16xf32>
        %add3A_187 = arith.addf %add3A_171, %mul3A_186 : vector<16xf32>
        %mul3A_188 = arith.mulf %get3A_183, %get3A_183 : vector<16xf32>
        %add3A_189 = arith.addf %add3A_173, %mul3A_188 : vector<16xf32>
        %get3A_190 = arith.constant 9 : i32
        %get3A_191 = arith.index_cast %get3A_190 : i32 to index
        %get3A_192 = arith.index_cast %add3A_39 : i32 to index
        %get3A_193 = arith.constant 0 : index
        %get3A_194 = tpu.vector_load %arg11[%get3A_191, %get3A_192, %get3A_193] {strides = array<i32>} : memref<26x64x32xf32, #tpu.memory_space<vmem>>, vector<16xf32>,
        %get3A_195 = arith.constant 9 : i32
        %get3A_196 = arith.index_cast %get3A_195 : i32 to index
        %get3A_197 = arith.index_cast %add3A_39 : i32 to index
        %get3A_198 = arith.constant 16 : index
        %get3A_199 = tpu.vector_load %arg11[%get3A_196, %get3A_197, %get3A_198] {strides = array<i32>} : memref<26x64x32xf32, #tpu.memory_space<vmem>>, vector<16xf32>,
        %add3A_200 = arith.addf %add3A_184, %get3A_194 : vector<16xf32>
        %add3A_201 = arith.addf %add3A_185, %get3A_199 : vector<16xf32>
        %mul3A_202 = arith.mulf %get3A_194, %get3A_194 : vector<16xf32>
        %add3A_203 = arith.addf %add3A_187, %mul3A_202 : vector<16xf32>
        %mul3A_204 = arith.mulf %get3A_199, %get3A_199 : vector<16xf32>
        %add3A_205 = arith.addf %add3A_189, %mul3A_204 : vector<16xf32>
        %get3A_206 = arith.constant 10 : i32
        %get3A_207 = arith.index_cast %get3A_206 : i32 to index
        %get3A_208 = arith.index_cast %add3A_39 : i32 to index
        %get3A_209 = arith.constant 0 : index
        %get3A_210 = tpu.vector_load %arg11[%get3A_207, %get3A_208, %get3A_209] {strides = array<i32>} : memref<26x64x32xf32, #tpu.memory_space<vmem>>, vector<16xf32>,
        %get3A_211 = arith.constant 10 : i32
        %get3A_212 = arith.index_cast %get3A_211 : i32 to index
        %get3A_213 = arith.index_cast %add3A_39 : i32 to index
        %get3A_214 = arith.constant 16 : index
        %get3A_215 = tpu.vector_load %arg11[%get3A_212, %get3A_213, %get3A_214] {strides = array<i32>} : memref<26x64x32xf32, #tpu.memory_space<vmem>>, vector<16xf32>,
        %add3A_216 = arith.addf %add3A_200, %get3A_210 : vector<16xf32>
        %add3A_217 = arith.addf %add3A_201, %get3A_215 : vector<16xf32>
        %mul3A_218 = arith.mulf %get3A_210, %get3A_210 : vector<16xf32>
        %add3A_219 = arith.addf %add3A_203, %mul3A_218 : vector<16xf32>
        %mul3A_220 = arith.mulf %get3A_215, %get3A_215 : vector<16xf32>
        %add3A_221 = arith.addf %add3A_205, %mul3A_220 : vector<16xf32>
        %get3A_222 = arith.constant 11 : i32
        %get3A_223 = arith.index_cast %get3A_222 : i32 to index
        %get3A_224 = arith.index_cast %add3A_39 : i32 to index
        %get3A_225 = arith.constant 0 : index
        %get3A_226 = tpu.vector_load %arg11[%get3A_223, %get3A_224, %get3A_225] {strides = array<i32>} : memref<26x64x32xf32, #tpu.memory_space<vmem>>, vector<16xf32>,
        %get3A_227 = arith.constant 11 : i32
        %get3A_228 = arith.index_cast %get3A_227 : i32 to index
        %get3A_229 = arith.index_cast %add3A_39 : i32 to index
        %get3A_230 = arith.constant 16 : index
        %get3A_231 = tpu.vector_load %arg11[%get3A_228, %get3A_229, %get3A_230] {strides = array<i32>} : memref<26x64x32xf32, #tpu.memory_space<vmem>>, vector<16xf32>,
        %add3A_232 = arith.addf %add3A_216, %get3A_226 : vector<16xf32>
        %add3A_233 = arith.addf %add3A_217, %get3A_231 : vector<16xf32>
        %mul3A_234 = arith.mulf %get3A_226, %get3A_226 : vector<16xf32>
        %add3A_235 = arith.addf %add3A_219, %mul3A_234 : vector<16xf32>
        %mul3A_236 = arith.mulf %get3A_231, %get3A_231 : vector<16xf32>
        %add3A_237 = arith.addf %add3A_221, %mul3A_236 : vector<16xf32>
        %get3A_238 = arith.constant 12 : i32
        %get3A_239 = arith.index_cast %get3A_238 : i32 to index
        %get3A_240 = arith.index_cast %add3A_39 : i32 to index
        %get3A_241 = arith.constant 0 : index
        %get3A_242 = tpu.vector_load %arg11[%get3A_239, %get3A_240, %get3A_241] {strides = array<i32>} : memref<26x64x32xf32, #tpu.memory_space<vmem>>, vector<16xf32>,
        %get3A_243 = arith.constant 12 : i32
        %get3A_244 = arith.index_cast %get3A_243 : i32 to index
        %get3A_245 = arith.index_cast %add3A_39 : i32 to index
        %get3A_246 = arith.constant 16 : index
        %get3A_247 = tpu.vector_load %arg11[%get3A_244, %get3A_245, %get3A_246] {strides = array<i32>} : memref<26x64x32xf32, #tpu.memory_space<vmem>>, vector<16xf32>,
        %add3A_248 = arith.addf %add3A_232, %get3A_242 : vector<16xf32>
        %add3A_249 = arith.addf %add3A_233, %get3A_247 : vector<16xf32>
        %mul3A_250 = arith.mulf %get3A_242, %get3A_242 : vector<16xf32>
        %add3A_251 = arith.addf %add3A_235, %mul3A_250 : vector<16xf32>
        %mul3A_252 = arith.mulf %get3A_247, %get3A_247 : vector<16xf32>
        %add3A_253 = arith.addf %add3A_237, %mul3A_252 : vector<16xf32>
        %get3A_254 = arith.constant 13 : i32
        %get3A_255 = arith.index_cast %get3A_254 : i32 to index
        %get3A_256 = arith.index_cast %add3A_39 : i32 to index
        %get3A_257 = arith.constant 0 : index
        %get3A_258 = tpu.vector_load %arg11[%get3A_255, %get3A_256, %get3A_257] {strides = array<i32>} : memref<26x64x32xf32, #tpu.memory_space<vmem>>, vector<16xf32>,
        %get3A_259 = arith.constant 13 : i32
        %get3A_260 = arith.index_cast %get3A_259 : i32 to index
        %get3A_261 = arith.index_cast %add3A_39 : i32 to index
        %get3A_262 = arith.constant 16 : index
        %get3A_263 = tpu.vector_load %arg11[%get3A_260, %get3A_261, %get3A_262] {strides = array<i32>} : memref<26x64x32xf32, #tpu.memory_space<vmem>>, vector<16xf32>,
        %add3A_264 = arith.addf %add3A_248, %get3A_258 : vector<16xf32>
        %add3A_265 = arith.addf %add3A_249, %get3A_263 : vector<16xf32>
        %mul3A_266 = arith.mulf %get3A_258, %get3A_258 : vector<16xf32>
        %add3A_267 = arith.addf %add3A_251, %mul3A_266 : vector<16xf32>
        %mul3A_268 = arith.mulf %get3A_263, %get3A_263 : vector<16xf32>
        %add3A_269 = arith.addf %add3A_253, %mul3A_268 : vector<16xf32>
        %get3A_270 = arith.constant 14 : i32
        %get3A_271 = arith.index_cast %get3A_270 : i32 to index
        %get3A_272 = arith.index_cast %add3A_39 : i32 to index
        %get3A_273 = arith.constant 0 : index
        %get3A_274 = tpu.vector_load %arg11[%get3A_271, %get3A_272, %get3A_273] {strides = array<i32>} : memref<26x64x32xf32, #tpu.memory_space<vmem>>, vector<16xf32>,
        %get3A_275 = arith.constant 14 : i32
        %get3A_276 = arith.index_cast %get3A_275 : i32 to index
        %get3A_277 = arith.index_cast %add3A_39 : i32 to index
        %get3A_278 = arith.constant 16 : index
        %get3A_279 = tpu.vector_load %arg11[%get3A_276, %get3A_277, %get3A_278] {strides = array<i32>} : memref<26x64x32xf32, #tpu.memory_space<vmem>>, vector<16xf32>,
        %add3A_280 = arith.addf %add3A_264, %get3A_274 : vector<16xf32>
        %add3A_281 = arith.addf %add3A_265, %get3A_279 : vector<16xf32>
        %mul3A_282 = arith.mulf %get3A_274, %get3A_274 : vector<16xf32>
        %add3A_283 = arith.addf %add3A_267, %mul3A_282 : vector<16xf32>
        %mul3A_284 = arith.mulf %get3A_279, %get3A_279 : vector<16xf32>
        %add3A_285 = arith.addf %add3A_269, %mul3A_284 : vector<16xf32>
        %get3A_286 = arith.constant 15 : i32
        %get3A_287 = arith.index_cast %get3A_286 : i32 to index
        %get3A_288 = arith.index_cast %add3A_39 : i32 to index
        %get3A_289 = arith.constant 0 : index
        %get3A_290 = tpu.vector_load %arg11[%get3A_287, %get3A_288, %get3A_289] {strides = array<i32>} : memref<26x64x32xf32, #tpu.memory_space<vmem>>, vector<16xf32>,
        %get3A_291 = arith.constant 15 : i32
        %get3A_292 = arith.index_cast %get3A_291 : i32 to index
        %get3A_293 = arith.index_cast %add3A_39 : i32 to index
        %get3A_294 = arith.constant 16 : index
        %get3A_295 = tpu.vector_load %arg11[%get3A_292, %get3A_293, %get3A_294] {strides = array<i32>} : memref<26x64x32xf32, #tpu.memory_space<vmem>>, vector<16xf32>,
        %add3A_296 = arith.addf %add3A_280, %get3A_290 : vector<16xf32>
        %add3A_297 = arith.addf %add3A_281, %get3A_295 : vector<16xf32>
        %mul3A_298 = arith.mulf %get3A_290, %get3A_290 : vector<16xf32>
        %add3A_299 = arith.addf %add3A_283, %mul3A_298 : vector<16xf32>
        %mul3A_300 = arith.mulf %get3A_295, %get3A_295 : vector<16xf32>
        %add3A_301 = arith.addf %add3A_285, %mul3A_300 : vector<16xf32>
        %get3A_302 = arith.constant 16 : i32
        %get3A_303 = arith.index_cast %get3A_302 : i32 to index
        %get3A_304 = arith.index_cast %add3A_39 : i32 to index
        %get3A_305 = arith.constant 0 : index
        %get3A_306 = tpu.vector_load %arg11[%get3A_303, %get3A_304, %get3A_305] {strides = array<i32>} : memref<26x64x32xf32, #tpu.memory_space<vmem>>, vector<16xf32>,
        %get3A_307 = arith.constant 16 : i32
        %get3A_308 = arith.index_cast %get3A_307 : i32 to index
        %get3A_309 = arith.index_cast %add3A_39 : i32 to index
        %get3A_310 = arith.constant 16 : index
        %get3A_311 = tpu.vector_load %arg11[%get3A_308, %get3A_309, %get3A_310] {strides = array<i32>} : memref<26x64x32xf32, #tpu.memory_space<vmem>>, vector<16xf32>,
        %add3A_312 = arith.addf %add3A_296, %get3A_306 : vector<16xf32>
        %add3A_313 = arith.addf %add3A_297, %get3A_311 : vector<16xf32>
        %mul3A_314 = arith.mulf %get3A_306, %get3A_306 : vector<16xf32>
        %add3A_315 = arith.addf %add3A_299, %mul3A_314 : vector<16xf32>
        %mul3A_316 = arith.mulf %get3A_311, %get3A_311 : vector<16xf32>
        %add3A_317 = arith.addf %add3A_301, %mul3A_316 : vector<16xf32>
        %get3A_318 = arith.constant 17 : i32
        %get3A_319 = arith.index_cast %get3A_318 : i32 to index
        %get3A_320 = arith.index_cast %add3A_39 : i32 to index
        %get3A_321 = arith.constant 0 : index
        %get3A_322 = tpu.vector_load %arg11[%get3A_319, %get3A_320, %get3A_321] {strides = array<i32>} : memref<26x64x32xf32, #tpu.memory_space<vmem>>, vector<16xf32>,
        %get3A_323 = arith.constant 17 : i32
        %get3A_324 = arith.index_cast %get3A_323 : i32 to index
        %get3A_325 = arith.index_cast %add3A_39 : i32 to index
        %get3A_326 = arith.constant 16 : index
        %get3A_327 = tpu.vector_load %arg11[%get3A_324, %get3A_325, %get3A_326] {strides = array<i32>} : memref<26x64x32xf32, #tpu.memory_space<vmem>>, vector<16xf32>,
        %add3A_328 = arith.addf %add3A_312, %get3A_322 : vector<16xf32>
        %add3A_329 = arith.addf %add3A_313, %get3A_327 : vector<16xf32>
        %mul3A_330 = arith.mulf %get3A_322, %get3A_322 : vector<16xf32>
        %add3A_331 = arith.addf %add3A_315, %mul3A_330 : vector<16xf32>
        %mul3A_332 = arith.mulf %get3A_327, %get3A_327 : vector<16xf32>
        %add3A_333 = arith.addf %add3A_317, %mul3A_332 : vector<16xf32>
        %get3A_334 = arith.constant 18 : i32
        %get3A_335 = arith.index_cast %get3A_334 : i32 to index
        %get3A_336 = arith.index_cast %add3A_39 : i32 to index
        %get3A_337 = arith.constant 0 : index
        %get3A_338 = tpu.vector_load %arg11[%get3A_335, %get3A_336, %get3A_337] {strides = array<i32>} : memref<26x64x32xf32, #tpu.memory_space<vmem>>, vector<16xf32>,
        %get3A_339 = arith.constant 18 : i32
        %get3A_340 = arith.index_cast %get3A_339 : i32 to index
        %get3A_341 = arith.index_cast %add3A_39 : i32 to index
        %get3A_342 = arith.constant 16 : index
        %get3A_343 = tpu.vector_load %arg11[%get3A_340, %get3A_341, %get3A_342] {strides = array<i32>} : memref<26x64x32xf32, #tpu.memory_space<vmem>>, vector<16xf32>,
        %add3A_344 = arith.addf %add3A_328, %get3A_338 : vector<16xf32>
        %add3A_345 = arith.addf %add3A_329, %get3A_343 : vector<16xf32>
        %mul3A_346 = arith.mulf %get3A_338, %get3A_338 : vector<16xf32>
        %add3A_347 = arith.addf %add3A_331, %mul3A_346 : vector<16xf32>
        %mul3A_348 = arith.mulf %get3A_343, %get3A_343 : vector<16xf32>
        %add3A_349 = arith.addf %add3A_333, %mul3A_348 : vector<16xf32>
        %get3A_350 = arith.constant 19 : i32
        %get3A_351 = arith.index_cast %get3A_350 : i32 to index
        %get3A_352 = arith.index_cast %add3A_39 : i32 to index
        %get3A_353 = arith.constant 0 : index
        %get3A_354 = tpu.vector_load %arg11[%get3A_351, %get3A_352, %get3A_353] {strides = array<i32>} : memref<26x64x32xf32, #tpu.memory_space<vmem>>, vector<16xf32>,
        %get3A_355 = arith.constant 19 : i32
        %get3A_356 = arith.index_cast %get3A_355 : i32 to index
        %get3A_357 = arith.index_cast %add3A_39 : i32 to index
        %get3A_358 = arith.constant 16 : index
        %get3A_359 = tpu.vector_load %arg11[%get3A_356, %get3A_357, %get3A_358] {strides = array<i32>} : memref<26x64x32xf32, #tpu.memory_space<vmem>>, vector<16xf32>,
        %add3A_360 = arith.addf %add3A_344, %get3A_354 : vector<16xf32>
        %add3A_361 = arith.addf %add3A_345, %get3A_359 : vector<16xf32>
        %mul3A_362 = arith.mulf %get3A_354, %get3A_354 : vector<16xf32>
        %add3A_363 = arith.addf %add3A_347, %mul3A_362 : vector<16xf32>
        %mul3A_364 = arith.mulf %get3A_359, %get3A_359 : vector<16xf32>
        %add3A_365 = arith.addf %add3A_349, %mul3A_364 : vector<16xf32>
        %get3A_366 = arith.constant 20 : i32
        %get3A_367 = arith.index_cast %get3A_366 : i32 to index
        %get3A_368 = arith.index_cast %add3A_39 : i32 to index
        %get3A_369 = arith.constant 0 : index
        %get3A_370 = tpu.vector_load %arg11[%get3A_367, %get3A_368, %get3A_369] {strides = array<i32>} : memref<26x64x32xf32, #tpu.memory_space<vmem>>, vector<16xf32>,
        %get3A_371 = arith.constant 20 : i32
        %get3A_372 = arith.index_cast %get3A_371 : i32 to index
        %get3A_373 = arith.index_cast %add3A_39 : i32 to index
        %get3A_374 = arith.constant 16 : index
        %get3A_375 = tpu.vector_load %arg11[%get3A_372, %get3A_373, %get3A_374] {strides = array<i32>} : memref<26x64x32xf32, #tpu.memory_space<vmem>>, vector<16xf32>,
        %add3A_376 = arith.addf %add3A_360, %get3A_370 : vector<16xf32>
        %add3A_377 = arith.addf %add3A_361, %get3A_375 : vector<16xf32>
        %mul3A_378 = arith.mulf %get3A_370, %get3A_370 : vector<16xf32>
        %add3A_379 = arith.addf %add3A_363, %mul3A_378 : vector<16xf32>
        %mul3A_380 = arith.mulf %get3A_375, %get3A_375 : vector<16xf32>
        %add3A_381 = arith.addf %add3A_365, %mul3A_380 : vector<16xf32>
        %get3A_382 = arith.constant 21 : i32
        %get3A_383 = arith.index_cast %get3A_382 : i32 to index
        %get3A_384 = arith.index_cast %add3A_39 : i32 to index
        %get3A_385 = arith.constant 0 : index
        %get3A_386 = tpu.vector_load %arg11[%get3A_383, %get3A_384, %get3A_385] {strides = array<i32>} : memref<26x64x32xf32, #tpu.memory_space<vmem>>, vector<16xf32>,
        %get3A_387 = arith.constant 21 : i32
        %get3A_388 = arith.index_cast %get3A_387 : i32 to index
        %get3A_389 = arith.index_cast %add3A_39 : i32 to index
        %get3A_390 = arith.constant 16 : index
        %get3A_391 = tpu.vector_load %arg11[%get3A_388, %get3A_389, %get3A_390] {strides = array<i32>} : memref<26x64x32xf32, #tpu.memory_space<vmem>>, vector<16xf32>,
        %add3A_392 = arith.addf %add3A_376, %get3A_386 : vector<16xf32>
        %add3A_393 = arith.addf %add3A_377, %get3A_391 : vector<16xf32>
        %mul3A_394 = arith.mulf %get3A_386, %get3A_386 : vector<16xf32>
        %add3A_395 = arith.addf %add3A_379, %mul3A_394 : vector<16xf32>
        %mul3A_396 = arith.mulf %get3A_391, %get3A_391 : vector<16xf32>
        %add3A_397 = arith.addf %add3A_381, %mul3A_396 : vector<16xf32>
        %get3A_398 = arith.constant 22 : i32
        %get3A_399 = arith.index_cast %get3A_398 : i32 to index
        %get3A_400 = arith.index_cast %add3A_39 : i32 to index
        %get3A_401 = arith.constant 0 : index
        %get3A_402 = tpu.vector_load %arg11[%get3A_399, %get3A_400, %get3A_401] {strides = array<i32>} : memref<26x64x32xf32, #tpu.memory_space<vmem>>, vector<16xf32>,
        %get3A_403 = arith.constant 22 : i32
        %get3A_404 = arith.index_cast %get3A_403 : i32 to index
        %get3A_405 = arith.index_cast %add3A_39 : i32 to index
        %get3A_406 = arith.constant 16 : index
        %get3A_407 = tpu.vector_load %arg11[%get3A_404, %get3A_405, %get3A_406] {strides = array<i32>} : memref<26x64x32xf32, #tpu.memory_space<vmem>>, vector<16xf32>,
        %add3A_408 = arith.addf %add3A_392, %get3A_402 : vector<16xf32>
        %add3A_409 = arith.addf %add3A_393, %get3A_407 : vector<16xf32>
        %mul3A_410 = arith.mulf %get3A_402, %get3A_402 : vector<16xf32>
        %add3A_411 = arith.addf %add3A_395, %mul3A_410 : vector<16xf32>
        %mul3A_412 = arith.mulf %get3A_407, %get3A_407 : vector<16xf32>
        %add3A_413 = arith.addf %add3A_397, %mul3A_412 : vector<16xf32>
        %get3A_414 = arith.constant 23 : i32
        %get3A_415 = arith.index_cast %get3A_414 : i32 to index
        %get3A_416 = arith.index_cast %add3A_39 : i32 to index
        %get3A_417 = arith.constant 0 : index
        %get3A_418 = tpu.vector_load %arg11[%get3A_415, %get3A_416, %get3A_417] {strides = array<i32>} : memref<26x64x32xf32, #tpu.memory_space<vmem>>, vector<16xf32>,
        %get3A_419 = arith.constant 23 : i32
        %get3A_420 = arith.index_cast %get3A_419 : i32 to index
        %get3A_421 = arith.index_cast %add3A_39 : i32 to index
        %get3A_422 = arith.constant 16 : index
        %get3A_423 = tpu.vector_load %arg11[%get3A_420, %get3A_421, %get3A_422] {strides = array<i32>} : memref<26x64x32xf32, #tpu.memory_space<vmem>>, vector<16xf32>,
        %add3A_424 = arith.addf %add3A_408, %get3A_418 : vector<16xf32>
        %add3A_425 = arith.addf %add3A_409, %get3A_423 : vector<16xf32>
        %mul3A_426 = arith.mulf %get3A_418, %get3A_418 : vector<16xf32>
        %add3A_427 = arith.addf %add3A_411, %mul3A_426 : vector<16xf32>
        %mul3A_428 = arith.mulf %get3A_423, %get3A_423 : vector<16xf32>
        %add3A_429 = arith.addf %add3A_413, %mul3A_428 : vector<16xf32>
        %get3A_430 = arith.constant 24 : i32
        %get3A_431 = arith.index_cast %get3A_430 : i32 to index
        %get3A_432 = arith.index_cast %add3A_39 : i32 to index
        %get3A_433 = arith.constant 0 : index
        %get3A_434 = tpu.vector_load %arg11[%get3A_431, %get3A_432, %get3A_433] {strides = array<i32>} : memref<26x64x32xf32, #tpu.memory_space<vmem>>, vector<16xf32>,
        %get3A_435 = arith.constant 24 : i32
        %get3A_436 = arith.index_cast %get3A_435 : i32 to index
        %get3A_437 = arith.index_cast %add3A_39 : i32 to index
        %get3A_438 = arith.constant 16 : index
        %get3A_439 = tpu.vector_load %arg11[%get3A_436, %get3A_437, %get3A_438] {strides = array<i32>} : memref<26x64x32xf32, #tpu.memory_space<vmem>>, vector<16xf32>,
        %add3A_440 = arith.addf %add3A_424, %get3A_434 : vector<16xf32>
        %add3A_441 = arith.addf %add3A_425, %get3A_439 : vector<16xf32>
        %mul3A_442 = arith.mulf %get3A_434, %get3A_434 : vector<16xf32>
        %add3A_443 = arith.addf %add3A_427, %mul3A_442 : vector<16xf32>
        %mul3A_444 = arith.mulf %get3A_439, %get3A_439 : vector<16xf32>
        %add3A_445 = arith.addf %add3A_429, %mul3A_444 : vector<16xf32>
        %get3A_446 = arith.constant 25 : i32
        %get3A_447 = arith.index_cast %get3A_446 : i32 to index
        %get3A_448 = arith.index_cast %add3A_39 : i32 to index
        %get3A_449 = arith.constant 0 : index
        %get3A_450 = tpu.vector_load %arg11[%get3A_447, %get3A_448, %get3A_449] {strides = array<i32>} : memref<26x64x32xf32, #tpu.memory_space<vmem>>, vector<16xf32>,
        %get3A_451 = arith.constant 25 : i32
        %get3A_452 = arith.index_cast %get3A_451 : i32 to index
        %get3A_453 = arith.index_cast %add3A_39 : i32 to index
        %get3A_454 = arith.constant 16 : index
        %get3A_455 = tpu.vector_load %arg11[%get3A_452, %get3A_453, %get3A_454] {strides = array<i32>} : memref<26x64x32xf32, #tpu.memory_space<vmem>>, vector<16xf32>,
        %add3A_456 = arith.addf %add3A_440, %get3A_450 : vector<16xf32>
        %add3A_457 = arith.addf %add3A_441, %get3A_455 : vector<16xf32>
        %mul3A_458 = arith.mulf %get3A_450, %get3A_450 : vector<16xf32>
        %add3A_459 = arith.addf %add3A_443, %mul3A_458 : vector<16xf32>
        %mul3A_460 = arith.mulf %get3A_455, %get3A_455 : vector<16xf32>
        %add3A_461 = arith.addf %add3A_445, %mul3A_460 : vector<16xf32>
        %swap3A = arith.index_cast %add3A_39 : i32 to index
        %swap3A_462 = arith.constant 0 : index
        %swap3A_463 = tpu.vector_load %arg13[%swap3A, %swap3A_462] {strides = array<i32>} : memref<64x32xf32, #tpu.memory_space<vmem>>, vector<16xf32>,
        tpu.vector_store %arg13[%swap3A, %swap3A_462], %add3A_456 {strides = array<i32>} : memref<64x32xf32, #tpu.memory_space<vmem>>, vector<16xf32>,
        %swap3A_464 = arith.index_cast %add3A_39 : i32 to index
        %swap3A_465 = arith.constant 16 : index
        %swap3A_466 = tpu.vector_load %arg13[%swap3A_464, %swap3A_465] {strides = array<i32>} : memref<64x32xf32, #tpu.memory_space<vmem>>, vector<16xf32>,
        tpu.vector_store %arg13[%swap3A_464, %swap3A_465], %add3A_457 {strides = array<i32>} : memref<64x32xf32, #tpu.memory_space<vmem>>, vector<16xf32>,
        %swap3A_467 = arith.index_cast %add3A_39 : i32 to index
        %swap3A_468 = arith.constant 0 : index
        %swap3A_469 = tpu.vector_load %arg14[%swap3A_467, %swap3A_468] {strides = array<i32>} : memref<64x32xf32, #tpu.memory_space<vmem>>, vector<16xf32>,
        tpu.vector_store %arg14[%swap3A_467, %swap3A_468], %add3A_459 {strides = array<i32>} : memref<64x32xf32, #tpu.memory_space<vmem>>, vector<16xf32>,
        %swap3A_470 = arith.index_cast %add3A_39 : i32 to index
        %swap3A_471 = arith.constant 16 : index
        %swap3A_472 = tpu.vector_load %arg14[%swap3A_470, %swap3A_471] {strides = array<i32>} : memref<64x32xf32, #tpu.memory_space<vmem>>, vector<16xf32>,
        tpu.vector_store %arg14[%swap3A_470, %swap3A_471], %add3A_461 {strides = array<i32>} : memref<64x32xf32, #tpu.memory_space<vmem>>, vector<16xf32>,
      }
      %scan3A_29 = arith.constant 64 : i32
      %scan3A_30 = arith.constant 0 : i32
      %scan3A_31 = arith.constant 4 : i32
      %scan3A_32 = arith.addi %scan3A_30, %scan3A_31 : i32
      %scan3A_33 = arith.constant 1 : i32
      scf.for %scan3A_35 = %scan3A_30 to %scan3A_32 step %scan3A_33  : i32 {
        %mul3A_36 = arith.constant 1 : i32
        %mul3A_37 = arith.muli %scan3A_35, %mul3A_36 : i32
        %add3A_38 = arith.constant 0 : i32
        %add3A_39 = arith.addi %add3A_38, %mul3A_37 : i32
        %broadcast_in_dim3A = arith.constant 0.000000e+00 : f32
        %broadcast_in_dim3A_40 = vector.broadcast %broadcast_in_dim3A : f32 to vector<16xf32>
        %mul3A_41 = arith.constant 16 : i32
        %mul3A_42 = arith.muli %add3A_39, %mul3A_41 : i32
        %get3A = arith.constant 0 : i32
        %get3A_43 = arith.index_cast %get3A : i32 to index
        %get3A_44 = arith.index_cast %mul3A_42 : i32 to index
        %get3A_45 = tpu.vector_load %arg12[%get3A_43, %get3A_44] {strides = array<i32>} : memref<26x64xf32, #tpu.memory_space<vmem>>, vector<16xf32>,
        %add3A_46 = arith.addf %broadcast_in_dim3A_40, %get3A_45 : vector<16xf32>
        %mul3A_47 = arith.constant 16 : i32
        %mul3A_48 = arith.muli %add3A_39, %mul3A_47 : i32
        %get3A_49 = arith.constant 1 : i32
        %get3A_50 = arith.index_cast %get3A_49 : i32 to index
        %get3A_51 = arith.index_cast %mul3A_48 : i32 to index
        %get3A_52 = tpu.vector_load %arg12[%get3A_50, %get3A_51] {strides = array<i32>} : memref<26x64xf32, #tpu.memory_space<vmem>>, vector<16xf32>,
        %add3A_53 = arith.addf %add3A_46, %get3A_52 : vector<16xf32>
        %mul3A_54 = arith.constant 16 : i32
        %mul3A_55 = arith.muli %add3A_39, %mul3A_54 : i32
        %get3A_56 = arith.constant 2 : i32
        %get3A_57 = arith.index_cast %get3A_56 : i32 to index
        %get3A_58 = arith.index_cast %mul3A_55 : i32 to index
        %get3A_59 = tpu.vector_load %arg12[%get3A_57, %get3A_58] {strides = array<i32>} : memref<26x64xf32, #tpu.memory_space<vmem>>, vector<16xf32>,
        %add3A_60 = arith.addf %add3A_53, %get3A_59 : vector<16xf32>
        %mul3A_61 = arith.constant 16 : i32
        %mul3A_62 = arith.muli %add3A_39, %mul3A_61 : i32
        %get3A_63 = arith.constant 3 : i32
        %get3A_64 = arith.index_cast %get3A_63 : i32 to index
        %get3A_65 = arith.index_cast %mul3A_62 : i32 to index
        %get3A_66 = tpu.vector_load %arg12[%get3A_64, %get3A_65] {strides = array<i32>} : memref<26x64xf32, #tpu.memory_space<vmem>>, vector<16xf32>,
        %add3A_67 = arith.addf %add3A_60, %get3A_66 : vector<16xf32>
        %mul3A_68 = arith.constant 16 : i32
        %mul3A_69 = arith.muli %add3A_39, %mul3A_68 : i32
        %get3A_70 = arith.constant 4 : i32
        %get3A_71 = arith.index_cast %get3A_70 : i32 to index
        %get3A_72 = arith.index_cast %mul3A_69 : i32 to index
        %get3A_73 = tpu.vector_load %arg12[%get3A_71, %get3A_72] {strides = array<i32>} : memref<26x64xf32, #tpu.memory_space<vmem>>, vector<16xf32>,
        %add3A_74 = arith.addf %add3A_67, %get3A_73 : vector<16xf32>
        %mul3A_75 = arith.constant 16 : i32
        %mul3A_76 = arith.muli %add3A_39, %mul3A_75 : i32
        %get3A_77 = arith.constant 5 : i32
        %get3A_78 = arith.index_cast %get3A_77 : i32 to index
        %get3A_79 = arith.index_cast %mul3A_76 : i32 to index
        %get3A_80 = tpu.vector_load %arg12[%get3A_78, %get3A_79] {strides = array<i32>} : memref<26x64xf32, #tpu.memory_space<vmem>>, vector<16xf32>,
        %add3A_81 = arith.addf %add3A_74, %get3A_80 : vector<16xf32>
        %mul3A_82 = arith.constant 16 : i32
        %mul3A_83 = arith.muli %add3A_39, %mul3A_82 : i32
        %get3A_84 = arith.constant 6 : i32
        %get3A_85 = arith.index_cast %get3A_84 : i32 to index
        %get3A_86 = arith.index_cast %mul3A_83 : i32 to index
        %get3A_87 = tpu.vector_load %arg12[%get3A_85, %get3A_86] {strides = array<i32>} : memref<26x64xf32, #tpu.memory_space<vmem>>, vector<16xf32>,
        %add3A_88 = arith.addf %add3A_81, %get3A_87 : vector<16xf32>
        %mul3A_89 = arith.constant 16 : i32
        %mul3A_90 = arith.muli %add3A_39, %mul3A_89 : i32
        %get3A_91 = arith.constant 7 : i32
        %get3A_92 = arith.index_cast %get3A_91 : i32 to index
        %get3A_93 = arith.index_cast %mul3A_90 : i32 to index
        %get3A_94 = tpu.vector_load %arg12[%get3A_92, %get3A_93] {strides = array<i32>} : memref<26x64xf32, #tpu.memory_space<vmem>>, vector<16xf32>,
        %add3A_95 = arith.addf %add3A_88, %get3A_94 : vector<16xf32>
        %mul3A_96 = arith.constant 16 : i32
        %mul3A_97 = arith.muli %add3A_39, %mul3A_96 : i32
        %get3A_98 = arith.constant 8 : i32
        %get3A_99 = arith.index_cast %get3A_98 : i32 to index
        %get3A_100 = arith.index_cast %mul3A_97 : i32 to index
        %get3A_101 = tpu.vector_load %arg12[%get3A_99, %get3A_100] {strides = array<i32>} : memref<26x64xf32, #tpu.memory_space<vmem>>, vector<16xf32>,
        %add3A_102 = arith.addf %add3A_95, %get3A_101 : vector<16xf32>
        %mul3A_103 = arith.constant 16 : i32
        %mul3A_104 = arith.muli %add3A_39, %mul3A_103 : i32
        %get3A_105 = arith.constant 9 : i32
        %get3A_106 = arith.index_cast %get3A_105 : i32 to index
        %get3A_107 = arith.index_cast %mul3A_104 : i32 to index
        %get3A_108 = tpu.vector_load %arg12[%get3A_106, %get3A_107] {strides = array<i32>} : memref<26x64xf32, #tpu.memory_space<vmem>>, vector<16xf32>,
        %add3A_109 = arith.addf %add3A_102, %get3A_108 : vector<16xf32>
        %mul3A_110 = arith.constant 16 : i32
        %mul3A_111 = arith.muli %add3A_39, %mul3A_110 : i32
        %get3A_112 = arith.constant 10 : i32
        %get3A_113 = arith.index_cast %get3A_112 : i32 to index
        %get3A_114 = arith.index_cast %mul3A_111 : i32 to index
        %get3A_115 = tpu.vector_load %arg12[%get3A_113, %get3A_114] {strides = array<i32>} : memref<26x64xf32, #tpu.memory_space<vmem>>, vector<16xf32>,
        %add3A_116 = arith.addf %add3A_109, %get3A_115 : vector<16xf32>
        %mul3A_117 = arith.constant 16 : i32
        %mul3A_118 = arith.muli %add3A_39, %mul3A_117 : i32
        %get3A_119 = arith.constant 11 : i32
        %get3A_120 = arith.index_cast %get3A_119 : i32 to index
        %get3A_121 = arith.index_cast %mul3A_118 : i32 to index
        %get3A_122 = tpu.vector_load %arg12[%get3A_120, %get3A_121] {strides = array<i32>} : memref<26x64xf32, #tpu.memory_space<vmem>>, vector<16xf32>,
        %add3A_123 = arith.addf %add3A_116, %get3A_122 : vector<16xf32>
        %mul3A_124 = arith.constant 16 : i32
        %mul3A_125 = arith.muli %add3A_39, %mul3A_124 : i32
        %get3A_126 = arith.constant 12 : i32
        %get3A_127 = arith.index_cast %get3A_126 : i32 to index
        %get3A_128 = arith.index_cast %mul3A_125 : i32 to index
        %get3A_129 = tpu.vector_load %arg12[%get3A_127, %get3A_128] {strides = array<i32>} : memref<26x64xf32, #tpu.memory_space<vmem>>, vector<16xf32>,
        %add3A_130 = arith.addf %add3A_123, %get3A_129 : vector<16xf32>
        %mul3A_131 = arith.constant 16 : i32
        %mul3A_132 = arith.muli %add3A_39, %mul3A_131 : i32
        %get3A_133 = arith.constant 13 : i32
        %get3A_134 = arith.index_cast %get3A_133 : i32 to index
        %get3A_135 = arith.index_cast %mul3A_132 : i32 to index
        %get3A_136 = tpu.vector_load %arg12[%get3A_134, %get3A_135] {strides = array<i32>} : memref<26x64xf32, #tpu.memory_space<vmem>>, vector<16xf32>,
        %add3A_137 = arith.addf %add3A_130, %get3A_136 : vector<16xf32>
        %mul3A_138 = arith.constant 16 : i32
        %mul3A_139 = arith.muli %add3A_39, %mul3A_138 : i32
        %get3A_140 = arith.constant 14 : i32
        %get3A_141 = arith.index_cast %get3A_140 : i32 to index
        %get3A_142 = arith.index_cast %mul3A_139 : i32 to index
        %get3A_143 = tpu.vector_load %arg12[%get3A_141, %get3A_142] {strides = array<i32>} : memref<26x64xf32, #tpu.memory_space<vmem>>, vector<16xf32>,
        %add3A_144 = arith.addf %add3A_137, %get3A_143 : vector<16xf32>
        %mul3A_145 = arith.constant 16 : i32
        %mul3A_146 = arith.muli %add3A_39, %mul3A_145 : i32
        %get3A_147 = arith.constant 15 : i32
        %get3A_148 = arith.index_cast %get3A_147 : i32 to index
        %get3A_149 = arith.index_cast %mul3A_146 : i32 to index
        %get3A_150 = tpu.vector_load %arg12[%get3A_148, %get3A_149] {strides = array<i32>} : memref<26x64xf32, #tpu.memory_space<vmem>>, vector<16xf32>,
        %add3A_151 = arith.addf %add3A_144, %get3A_150 : vector<16xf32>
        %mul3A_152 = arith.constant 16 : i32
        %mul3A_153 = arith.muli %add3A_39, %mul3A_152 : i32
        %get3A_154 = arith.constant 16 : i32
        %get3A_155 = arith.index_cast %get3A_154 : i32 to index
        %get3A_156 = arith.index_cast %mul3A_153 : i32 to index
        %get3A_157 = tpu.vector_load %arg12[%get3A_155, %get3A_156] {strides = array<i32>} : memref<26x64xf32, #tpu.memory_space<vmem>>, vector<16xf32>,
        %add3A_158 = arith.addf %add3A_151, %get3A_157 : vector<16xf32>
        %mul3A_159 = arith.constant 16 : i32
        %mul3A_160 = arith.muli %add3A_39, %mul3A_159 : i32
        %get3A_161 = arith.constant 17 : i32
        %get3A_162 = arith.index_cast %get3A_161 : i32 to index
        %get3A_163 = arith.index_cast %mul3A_160 : i32 to index
        %get3A_164 = tpu.vector_load %arg12[%get3A_162, %get3A_163] {strides = array<i32>} : memref<26x64xf32, #tpu.memory_space<vmem>>, vector<16xf32>,
        %add3A_165 = arith.addf %add3A_158, %get3A_164 : vector<16xf32>
        %mul3A_166 = arith.constant 16 : i32
        %mul3A_167 = arith.muli %add3A_39, %mul3A_166 : i32
        %get3A_168 = arith.constant 18 : i32
        %get3A_169 = arith.index_cast %get3A_168 : i32 to index
        %get3A_170 = arith.index_cast %mul3A_167 : i32 to index
        %get3A_171 = tpu.vector_load %arg12[%get3A_169, %get3A_170] {strides = array<i32>} : memref<26x64xf32, #tpu.memory_space<vmem>>, vector<16xf32>,
        %add3A_172 = arith.addf %add3A_165, %get3A_171 : vector<16xf32>
        %mul3A_173 = arith.constant 16 : i32
        %mul3A_174 = arith.muli %add3A_39, %mul3A_173 : i32
        %get3A_175 = arith.constant 19 : i32
        %get3A_176 = arith.index_cast %get3A_175 : i32 to index
        %get3A_177 = arith.index_cast %mul3A_174 : i32 to index
        %get3A_178 = tpu.vector_load %arg12[%get3A_176, %get3A_177] {strides = array<i32>} : memref<26x64xf32, #tpu.memory_space<vmem>>, vector<16xf32>,
        %add3A_179 = arith.addf %add3A_172, %get3A_178 : vector<16xf32>
        %mul3A_180 = arith.constant 16 : i32
        %mul3A_181 = arith.muli %add3A_39, %mul3A_180 : i32
        %get3A_182 = arith.constant 20 : i32
        %get3A_183 = arith.index_cast %get3A_182 : i32 to index
        %get3A_184 = arith.index_cast %mul3A_181 : i32 to index
        %get3A_185 = tpu.vector_load %arg12[%get3A_183, %get3A_184] {strides = array<i32>} : memref<26x64xf32, #tpu.memory_space<vmem>>, vector<16xf32>,
        %add3A_186 = arith.addf %add3A_179, %get3A_185 : vector<16xf32>
        %mul3A_187 = arith.constant 16 : i32
        %mul3A_188 = arith.muli %add3A_39, %mul3A_187 : i32
        %get3A_189 = arith.constant 21 : i32
        %get3A_190 = arith.index_cast %get3A_189 : i32 to index
        %get3A_191 = arith.index_cast %mul3A_188 : i32 to index
        %get3A_192 = tpu.vector_load %arg12[%get3A_190, %get3A_191] {strides = array<i32>} : memref<26x64xf32, #tpu.memory_space<vmem>>, vector<16xf32>,
        %add3A_193 = arith.addf %add3A_186, %get3A_192 : vector<16xf32>
        %mul3A_194 = arith.constant 16 : i32
        %mul3A_195 = arith.muli %add3A_39, %mul3A_194 : i32
        %get3A_196 = arith.constant 22 : i32
        %get3A_197 = arith.index_cast %get3A_196 : i32 to index
        %get3A_198 = arith.index_cast %mul3A_195 : i32 to index
        %get3A_199 = tpu.vector_load %arg12[%get3A_197, %get3A_198] {strides = array<i32>} : memref<26x64xf32, #tpu.memory_space<vmem>>, vector<16xf32>,
        %add3A_200 = arith.addf %add3A_193, %get3A_199 : vector<16xf32>
        %mul3A_201 = arith.constant 16 : i32
        %mul3A_202 = arith.muli %add3A_39, %mul3A_201 : i32
        %get3A_203 = arith.constant 23 : i32
        %get3A_204 = arith.index_cast %get3A_203 : i32 to index
        %get3A_205 = arith.index_cast %mul3A_202 : i32 to index
        %get3A_206 = tpu.vector_load %arg12[%get3A_204, %get3A_205] {strides = array<i32>} : memref<26x64xf32, #tpu.memory_space<vmem>>, vector<16xf32>,
        %add3A_207 = arith.addf %add3A_200, %get3A_206 : vector<16xf32>
        %mul3A_208 = arith.constant 16 : i32
        %mul3A_209 = arith.muli %add3A_39, %mul3A_208 : i32
        %get3A_210 = arith.constant 24 : i32
        %get3A_211 = arith.index_cast %get3A_210 : i32 to index
        %get3A_212 = arith.index_cast %mul3A_209 : i32 to index
        %get3A_213 = tpu.vector_load %arg12[%get3A_211, %get3A_212] {strides = array<i32>} : memref<26x64xf32, #tpu.memory_space<vmem>>, vector<16xf32>,
        %add3A_214 = arith.addf %add3A_207, %get3A_213 : vector<16xf32>
        %mul3A_215 = arith.constant 16 : i32
        %mul3A_216 = arith.muli %add3A_39, %mul3A_215 : i32
        %get3A_217 = arith.constant 25 : i32
        %get3A_218 = arith.index_cast %get3A_217 : i32 to index
        %get3A_219 = arith.index_cast %mul3A_216 : i32 to index
        %get3A_220 = tpu.vector_load %arg12[%get3A_218, %get3A_219] {strides = array<i32>} : memref<26x64xf32, #tpu.memory_space<vmem>>, vector<16xf32>,
        %add3A_221 = arith.addf %add3A_214, %get3A_220 : vector<16xf32>
        %mul3A_222 = arith.constant 16 : i32
        %mul3A_223 = arith.muli %add3A_39, %mul3A_222 : i32
        %swap3A = arith.index_cast %mul3A_223 : i32 to index
        %swap3A_224 = tpu.vector_load %arg15[%swap3A] {strides = array<i32>} : memref<64xf32, #tpu.memory_space<vmem>>, vector<16xf32>,
        tpu.vector_store %arg15[%swap3A], %add3A_221 {strides = array<i32>} : memref<64xf32, #tpu.memory_space<vmem>>, vector<16xf32>,
      }
      %scan3A_34 = arith.constant 4 : i32
      "tpu.region"() ({
        %run_scoped3A = tpu.sem_alloc : memref<!tpu.dma_semaphore, #tpu.memory_space<semaphore_mem>>
        %dma_start3A = arith.constant 0 : i32
        %dma_start3A_35 = tpu.memref_slice %arg6[%add3A_14, %dma_start3A] : memref<16384x32xf32, #tpu.memory_space<hbm>> -> memref<64x32xf32, #tpu.memory_space<hbm>>
        %dma_start3A_36 = arith.constant 0 : i32
        %dma_start3A_37 = tpu.memref_slice %arg6[%add3A_14, %dma_start3A_36] : memref<16384x32xf32, #tpu.memory_space<hbm>> -> memref<64x32xf32, #tpu.memory_space<hbm>>
        tpu.enqueue_dma source(%arg13 : memref<64x32xf32, #tpu.memory_space<vmem>>) target(%dma_start3A_37 : memref<64x32xf32, #tpu.memory_space<hbm>>) target_semaphore(%run_scoped3A : memref<!tpu.dma_semaphore, #tpu.memory_space<semaphore_mem>>)
        %dma_wait3A = arith.constant 0 : i32
        %dma_wait3A_38 = tpu.memref_slice %arg6[%add3A_14, %dma_wait3A] : memref<16384x32xf32, #tpu.memory_space<hbm>> -> memref<64x32xf32, #tpu.memory_space<hbm>>
        %dma_wait3A_39 = arith.constant 0 : i32
        %dma_wait3A_40 = tpu.memref_slice %arg6[%add3A_14, %dma_wait3A_39] : memref<16384x32xf32, #tpu.memory_space<hbm>> -> memref<64x32xf32, #tpu.memory_space<hbm>>
        tpu.wait_dma2 semaphore(%run_scoped3A : memref<!tpu.dma_semaphore, #tpu.memory_space<semaphore_mem>>) src(%arg13 : memref<64x32xf32, #tpu.memory_space<vmem>>) dst(%dma_wait3A_40 : memref<64x32xf32, #tpu.memory_space<hbm>>)
        tpu.yield
      }) : () -> ()
      "tpu.region"() ({
        %run_scoped3A = tpu.sem_alloc : memref<!tpu.dma_semaphore, #tpu.memory_space<semaphore_mem>>
        %dma_start3A = arith.constant 0 : i32
        %dma_start3A_35 = tpu.memref_slice %arg7[%add3A_14, %dma_start3A] : memref<16384x32xf32, #tpu.memory_space<hbm>> -> memref<64x32xf32, #tpu.memory_space<hbm>>
        %dma_start3A_36 = arith.constant 0 : i32
        %dma_start3A_37 = tpu.memref_slice %arg7[%add3A_14, %dma_start3A_36] : memref<16384x32xf32, #tpu.memory_space<hbm>> -> memref<64x32xf32, #tpu.memory_space<hbm>>
        tpu.enqueue_dma source(%arg14 : memref<64x32xf32, #tpu.memory_space<vmem>>) target(%dma_start3A_37 : memref<64x32xf32, #tpu.memory_space<hbm>>) target_semaphore(%run_scoped3A : memref<!tpu.dma_semaphore, #tpu.memory_space<semaphore_mem>>)
        %dma_wait3A = arith.constant 0 : i32
        %dma_wait3A_38 = tpu.memref_slice %arg7[%add3A_14, %dma_wait3A] : memref<16384x32xf32, #tpu.memory_space<hbm>> -> memref<64x32xf32, #tpu.memory_space<hbm>>
        %dma_wait3A_39 = arith.constant 0 : i32
        %dma_wait3A_40 = tpu.memref_slice %arg7[%add3A_14, %dma_wait3A_39] : memref<16384x32xf32, #tpu.memory_space<hbm>> -> memref<64x32xf32, #tpu.memory_space<hbm>>
        tpu.wait_dma2 semaphore(%run_scoped3A : memref<!tpu.dma_semaphore, #tpu.memory_space<semaphore_mem>>) src(%arg14 : memref<64x32xf32, #tpu.memory_space<vmem>>) dst(%dma_wait3A_40 : memref<64x32xf32, #tpu.memory_space<hbm>>)
        tpu.yield
      }) : () -> ()
      "tpu.region"() ({
        %run_scoped3A = tpu.sem_alloc : memref<!tpu.dma_semaphore, #tpu.memory_space<semaphore_mem>>
        %dma_start3A = tpu.memref_slice %arg8[%add3A_14] : memref<16384xf32, #tpu.memory_space<hbm>> -> memref<64xf32, #tpu.memory_space<hbm>>
        %dma_start3A_35 = tpu.memref_slice %arg8[%add3A_14] : memref<16384xf32, #tpu.memory_space<hbm>> -> memref<64xf32, #tpu.memory_space<hbm>>
        tpu.enqueue_dma source(%arg15 : memref<64xf32, #tpu.memory_space<vmem>>) target(%dma_start3A_35 : memref<64xf32, #tpu.memory_space<hbm>>) target_semaphore(%run_scoped3A : memref<!tpu.dma_semaphore, #tpu.memory_space<semaphore_mem>>)
        %dma_wait3A = tpu.memref_slice %arg8[%add3A_14] : memref<16384xf32, #tpu.memory_space<hbm>> -> memref<64xf32, #tpu.memory_space<hbm>>
        %dma_wait3A_36 = tpu.memref_slice %arg8[%add3A_14] : memref<16384xf32, #tpu.memory_space<hbm>> -> memref<64xf32, #tpu.memory_space<hbm>>
        tpu.wait_dma2 semaphore(%run_scoped3A : memref<!tpu.dma_semaphore, #tpu.memory_space<semaphore_mem>>) src(%arg15 : memref<64xf32, #tpu.memory_space<vmem>>) dst(%dma_wait3A_36 : memref<64xf32, #tpu.memory_space<hbm>>)
        tpu.yield
      }) : () -> ()
    }
    %scan3A_6 = arith.constant 8 : i32
    return
  }
}

module attributes {stable_mosaic.version = 14 : i64} {
  func.func @_repack_body(%arg0: i32, %arg1: i32, %arg2: memref<32x32xf32, #tpu.memory_space<vmem>>, %arg3: memref<4x32x128xf32, #tpu.memory_space<vmem>>, %arg4: memref<1x32x100000xf32, #tpu.memory_space<vmem>>, %arg5: memref<1x1000x128xf32, #tpu.memory_space<vmem>>, %arg6: memref<100000x32xf32, #tpu.memory_space<vmem>>) attributes {dimension_semantics = [#tpu.dimension_semantics<arbitrary>, #tpu.dimension_semantics<arbitrary>], iteration_bounds = array<i64: 26, 25>, scalar_prefetch = 0 : i64, scratch_operands = 1 : i64, tpu.core_type = #tpu.core_type<tc>, window_params = [{pipeline_mode = #tpu.pipeline_mode<synchronous>, transform_indices = @transform_0, window_bounds = array<i64: 32, 32>}, {pipeline_mode = #tpu.pipeline_mode<synchronous>, transform_indices = @transform_1, window_bounds = array<i64: 4, 32, 128>}, {pipeline_mode = #tpu.pipeline_mode<synchronous>, transform_indices = @transform_2, window_bounds = array<i64: 1, 32, 100000>}, {transform_indices = @transform_3, window_bounds = array<i64: 1, 1000, 128>}]} {
    %eq3A = arith.constant 0 : i32
    %eq3A_0 = arith.cmpi eq, %arg1, %eq3A : i32
    %convert_element_type3A = arith.extui %eq3A_0 : i1 to i32
    %cond3A = arith.constant 0 : i32
    %cond3A_1 = arith.cmpi ne, %convert_element_type3A, %cond3A : i32
    scf.if %cond3A_1 {
      %get3A_54 = arith.constant 0 : index
      %get3A_55 = arith.constant 0 : index
      %get3A_56 = arith.constant 0 : index
      %get3A_57 = vector.load %arg4[%get3A_54, %get3A_55, %get3A_56] : memref<1x32x100000xf32, #tpu.memory_space<vmem>>, vector<1x32x100000xf32>
      %get3A_58 = vector.shape_cast %get3A_57 : vector<1x32x100000xf32> to vector<32x100000xf32>
      %get3A_59 = arith.constant 0 : index
      %get3A_60 = arith.constant 0 : index
      %get3A_61 = vector.load %arg2[%get3A_59, %get3A_60] : memref<32x32xf32, #tpu.memory_space<vmem>>, vector<32x32xf32>
      %dot_general3A_62 = arith.constant dense<0.000000e+00> : vector<100000x32xf32>
      %dot_general3A_63 = tpu.matmul %get3A_58, %get3A_61, %dot_general3A_62 {dimension_numbers = #tpu.dot_dimension_numbers<[0], [0], [1], [1], [0, 1, 1, 1], [], []>, transpose_lhs_hint = false} : vector<32x100000xf32>, vector<32x32xf32>, vector<100000x32xf32> -> vector<100000x32xf32>
      %swap3A_64 = arith.constant 0 : index
      %swap3A_65 = arith.constant 0 : index
      %swap3A_66 = vector.load %arg6[%swap3A_64, %swap3A_65] : memref<100000x32xf32, #tpu.memory_space<vmem>>, vector<100000x32xf32>
      tpu.vector_store %arg6[%swap3A_64, %swap3A_65], %dot_general3A_63 {strides = array<i32>} : memref<100000x32xf32, #tpu.memory_space<vmem>>, vector<100000x32xf32>,
    } else {
    }
    %mul3A = arith.constant 1000 : i32
    %mul3A_2 = arith.muli %arg1, %mul3A : i32
    %multiple_of3A = tpu.assume_multiple %mul3A_2, 8 : i32
    %get3A = arith.index_cast %multiple_of3A : i32 to index
    %get3A_3 = arith.constant 0 : index
    %get3A_4 = vector.load %arg6[%get3A, %get3A_3] : memref<100000x32xf32, #tpu.memory_space<vmem>>, vector<1000x32xf32>
    %get3A_5 = arith.constant 0 : index
    %get3A_6 = arith.constant 0 : index
    %get3A_7 = arith.constant 0 : index
    %get3A_8 = vector.load %arg3[%get3A_5, %get3A_6, %get3A_7] : memref<4x32x128xf32, #tpu.memory_space<vmem>>, vector<1x32x128xf32>
    %get3A_9 = vector.shape_cast %get3A_8 : vector<1x32x128xf32> to vector<32x128xf32>
    %dot_general3A = arith.constant dense<0.000000e+00> : vector<1000x128xf32>
    %dot_general3A_10 = tpu.matmul %get3A_4, %get3A_9, %dot_general3A {dimension_numbers = #tpu.dot_dimension_numbers<[1], [0], [0], [1], [0, 0, 1, 1], [], []>, transpose_lhs_hint = false} : vector<1000x32xf32>, vector<32x128xf32>, vector<1000x128xf32> -> vector<1000x128xf32>
    %add3A = arith.constant 25000 : i32
    %add3A_11 = arith.addi %add3A, %multiple_of3A : i32
    %get3A_12 = arith.index_cast %add3A_11 : i32 to index
    %get3A_13 = arith.constant 0 : index
    %get3A_14 = vector.load %arg6[%get3A_12, %get3A_13] : memref<100000x32xf32, #tpu.memory_space<vmem>>, vector<1000x32xf32>
    %get3A_15 = arith.constant 1 : index
    %get3A_16 = arith.constant 0 : index
    %get3A_17 = arith.constant 0 : index
    %get3A_18 = vector.load %arg3[%get3A_15, %get3A_16, %get3A_17] : memref<4x32x128xf32, #tpu.memory_space<vmem>>, vector<1x32x128xf32>
    %get3A_19 = vector.shape_cast %get3A_18 : vector<1x32x128xf32> to vector<32x128xf32>
    %dot_general3A_20 = arith.constant dense<0.000000e+00> : vector<1000x128xf32>
    %dot_general3A_21 = tpu.matmul %get3A_14, %get3A_19, %dot_general3A_20 {dimension_numbers = #tpu.dot_dimension_numbers<[1], [0], [0], [1], [0, 0, 1, 1], [], []>, transpose_lhs_hint = false} : vector<1000x32xf32>, vector<32x128xf32>, vector<1000x128xf32> -> vector<1000x128xf32>
    %add3A_22 = arith.addf %dot_general3A_10, %dot_general3A_21 : vector<1000x128xf32>
    %add3A_23 = arith.constant 50000 : i32
    %add3A_24 = arith.addi %add3A_23, %multiple_of3A : i32
    %get3A_25 = arith.index_cast %add3A_24 : i32 to index
    %get3A_26 = arith.constant 0 : index
    %get3A_27 = vector.load %arg6[%get3A_25, %get3A_26] : memref<100000x32xf32, #tpu.memory_space<vmem>>, vector<1000x32xf32>
    %get3A_28 = arith.constant 2 : index
    %get3A_29 = arith.constant 0 : index
    %get3A_30 = arith.constant 0 : index
    %get3A_31 = vector.load %arg3[%get3A_28, %get3A_29, %get3A_30] : memref<4x32x128xf32, #tpu.memory_space<vmem>>, vector<1x32x128xf32>
    %get3A_32 = vector.shape_cast %get3A_31 : vector<1x32x128xf32> to vector<32x128xf32>
    %dot_general3A_33 = arith.constant dense<0.000000e+00> : vector<1000x128xf32>
    %dot_general3A_34 = tpu.matmul %get3A_27, %get3A_32, %dot_general3A_33 {dimension_numbers = #tpu.dot_dimension_numbers<[1], [0], [0], [1], [0, 0, 1, 1], [], []>, transpose_lhs_hint = false} : vector<1000x32xf32>, vector<32x128xf32>, vector<1000x128xf32> -> vector<1000x128xf32>
    %add3A_35 = arith.addf %add3A_22, %dot_general3A_34 : vector<1000x128xf32>
    %add3A_36 = arith.constant 75000 : i32
    %add3A_37 = arith.addi %add3A_36, %multiple_of3A : i32
    %get3A_38 = arith.index_cast %add3A_37 : i32 to index
    %get3A_39 = arith.constant 0 : index
    %get3A_40 = vector.load %arg6[%get3A_38, %get3A_39] : memref<100000x32xf32, #tpu.memory_space<vmem>>, vector<1000x32xf32>
    %get3A_41 = arith.constant 3 : index
    %get3A_42 = arith.constant 0 : index
    %get3A_43 = arith.constant 0 : index
    %get3A_44 = vector.load %arg3[%get3A_41, %get3A_42, %get3A_43] : memref<4x32x128xf32, #tpu.memory_space<vmem>>, vector<1x32x128xf32>
    %get3A_45 = vector.shape_cast %get3A_44 : vector<1x32x128xf32> to vector<32x128xf32>
    %dot_general3A_46 = arith.constant dense<0.000000e+00> : vector<1000x128xf32>
    %dot_general3A_47 = tpu.matmul %get3A_40, %get3A_45, %dot_general3A_46 {dimension_numbers = #tpu.dot_dimension_numbers<[1], [0], [0], [1], [0, 0, 1, 1], [], []>, transpose_lhs_hint = false} : vector<1000x32xf32>, vector<32x128xf32>, vector<1000x128xf32> -> vector<1000x128xf32>
    %add3A_48 = arith.addf %add3A_35, %dot_general3A_47 : vector<1000x128xf32>
    %swap3A = arith.constant 0 : index
    %swap3A_49 = arith.constant 0 : index
    %swap3A_50 = arith.constant 0 : index
    %swap3A_51 = vector.load %arg5[%swap3A, %swap3A_49, %swap3A_50] : memref<1x1000x128xf32, #tpu.memory_space<vmem>>, vector<1x1000x128xf32>
    %swap3A_52 = vector.shape_cast %swap3A_51 : vector<1x1000x128xf32> to vector<1000x128xf32>
    %swap3A_53 = vector.shape_cast %add3A_48 : vector<1000x128xf32> to vector<1x1000x128xf32>
    tpu.vector_store %arg5[%swap3A, %swap3A_49, %swap3A_50], %swap3A_53 {strides = array<i32>} : memref<1x1000x128xf32, #tpu.memory_space<vmem>>, vector<1x1000x128xf32>,
    return
  }
  func.func @transform_0(%arg0: i32, %arg1: i32) -> (i32, i32) {
    %c0_i32 = arith.constant 0 : i32
    %c0_i32_0 = arith.constant 0 : i32
    %c0_i32_1 = arith.constant 0 : i32
    return %c0_i32, %c0_i32_0 : i32, i32
  }
  func.func @transform_1(%arg0: i32, %arg1: i32) -> (i32, i32, i32) {
    %c0_i32 = arith.constant 0 : i32
    %c0_i32_0 = arith.constant 0 : i32
    %c0_i32_1 = arith.constant 0 : i32
    %c0_i32_2 = arith.constant 0 : i32
    return %c0_i32, %c0_i32_0, %c0_i32_1 : i32, i32, i32
  }
  func.func @transform_2(%arg0: i32, %arg1: i32) -> (i32, i32, i32) {
    %c0_i32 = arith.constant 0 : i32
    %c0_i32_0 = arith.constant 0 : i32
    %c0_i32_1 = arith.constant 0 : i32
    return %arg0, %c0_i32, %c0_i32_0 : i32, i32, i32
  }
  func.func @transform_3(%arg0: i32, %arg1: i32) -> (i32, i32, i32) {
    %c0_i32 = arith.constant 0 : i32
    %c0_i32_0 = arith.constant 0 : i32
    return %arg0, %arg1, %c0_i32 : i32, i32, i32
  }
}

module attributes {stable_mosaic.version = 14 : i64} {
  func.func @_tc_mlp_body(%arg0: i32, %arg1: memref<1024x32xf32, #tpu.memory_space<vmem>>, %arg2: memref<1024x32xf32, #tpu.memory_space<vmem>>, %arg3: memref<1024x1xf32, #tpu.memory_space<vmem>>, %arg4: memref<1024x13xf32, #tpu.memory_space<vmem>>, %arg5: memref<32x256xf32, #tpu.memory_space<vmem>>, %arg6: memref<13x256xf32, #tpu.memory_space<vmem>>, %arg7: memref<1x256xf32, #tpu.memory_space<vmem>>, %arg8: memref<256x128xf32, #tpu.memory_space<vmem>>, %arg9: memref<1x128xf32, #tpu.memory_space<vmem>>, %arg10: memref<128x1xf32, #tpu.memory_space<vmem>>, %arg11: memref<13x1xf32, #tpu.memory_space<vmem>>, %arg12: memref<1x1xf32, #tpu.memory_space<vmem>>, %arg13: memref<1024x1xf32, #tpu.memory_space<vmem>>) attributes {dimension_semantics = [#tpu.dimension_semantics<arbitrary>], iteration_bounds = array<i64: 16>, scalar_prefetch = 0 : i64, scratch_operands = 0 : i64, tpu.core_type = #tpu.core_type<tc>, window_params = [{transform_indices = @transform_0, window_bounds = array<i64: 1024, 32>}, {transform_indices = @transform_1, window_bounds = array<i64: 1024, 32>}, {transform_indices = @transform_2, window_bounds = array<i64: 1024, 1>}, {transform_indices = @transform_3, window_bounds = array<i64: 1024, 13>}, {pipeline_mode = #tpu.pipeline_mode<synchronous>, transform_indices = @transform_4, window_bounds = array<i64: 32, 256>}, {pipeline_mode = #tpu.pipeline_mode<synchronous>, transform_indices = @transform_5, window_bounds = array<i64: 13, 256>}, {pipeline_mode = #tpu.pipeline_mode<synchronous>, transform_indices = @transform_6, window_bounds = array<i64: 1, 256>}, {pipeline_mode = #tpu.pipeline_mode<synchronous>, transform_indices = @transform_7, window_bounds = array<i64: 256, 128>}, {pipeline_mode = #tpu.pipeline_mode<synchronous>, transform_indices = @transform_8, window_bounds = array<i64: 1, 128>}, {pipeline_mode = #tpu.pipeline_mode<synchronous>, transform_indices = @transform_9, window_bounds = array<i64: 128, 1>}, {pipeline_mode = #tpu.pipeline_mode<synchronous>, transform_indices = @transform_10, window_bounds = array<i64: 13, 1>}, {pipeline_mode = #tpu.pipeline_mode<synchronous>, transform_indices = @transform_11, window_bounds = array<i64: 1, 1>}, {transform_indices = @transform_12, window_bounds = array<i64: 1024, 1>}]} {
    %get3A = arith.constant 0 : index
    %get3A_0 = arith.constant 0 : index
    %get3A_1 = vector.load %arg1[%get3A, %get3A_0] : memref<1024x32xf32, #tpu.memory_space<vmem>>, vector<1024x32xf32>
    %get3A_2 = arith.constant 0 : index
    %get3A_3 = arith.constant 0 : index
    %get3A_4 = vector.load %arg2[%get3A_2, %get3A_3] : memref<1024x32xf32, #tpu.memory_space<vmem>>, vector<1024x32xf32>
    %get3A_5 = arith.constant 0 : index
    %get3A_6 = arith.constant 0 : index
    %get3A_7 = vector.load %arg4[%get3A_5, %get3A_6] : memref<1024x13xf32, #tpu.memory_space<vmem>>, vector<1024x13xf32>
    %mul3A = arith.mulf %get3A_1, %get3A_1 : vector<1024x32xf32>
    %sub3A = arith.subf %mul3A, %get3A_4 : vector<1024x32xf32>
    %mul3A_8 = arith.constant 5.000000e-01 : f32
    %mul3A_9 = vector.broadcast %mul3A_8 : f32 to vector<1024x32xf32>
    %mul3A_10 = arith.mulf %mul3A_9, %sub3A : vector<1024x32xf32>
    %get3A_11 = arith.constant 0 : index
    %get3A_12 = arith.constant 0 : index
    %get3A_13 = vector.load %arg5[%get3A_11, %get3A_12] : memref<32x256xf32, #tpu.memory_space<vmem>>, vector<32x256xf32>
    %dot_general3A = arith.constant dense<0.000000e+00> : vector<1024x256xf32>
    %dot_general3A_14 = tpu.matmul %mul3A_10, %get3A_13, %dot_general3A {dimension_numbers = #tpu.dot_dimension_numbers<[1], [0], [0], [1], [0, 0, 1, 1], [], []>, transpose_lhs_hint = false} : vector<1024x32xf32>, vector<32x256xf32>, vector<1024x256xf32> -> vector<1024x256xf32>
    %get3A_15 = arith.constant 0 : index
    %get3A_16 = arith.constant 0 : index
    %get3A_17 = vector.load %arg6[%get3A_15, %get3A_16] : memref<13x256xf32, #tpu.memory_space<vmem>>, vector<13x256xf32>
    %dot_general3A_18 = arith.constant dense<0.000000e+00> : vector<1024x256xf32>
    %dot_general3A_19 = tpu.matmul %get3A_7, %get3A_17, %dot_general3A_18 {dimension_numbers = #tpu.dot_dimension_numbers<[1], [0], [0], [1], [0, 0, 1, 1], [], []>, transpose_lhs_hint = false} : vector<1024x13xf32>, vector<13x256xf32>, vector<1024x256xf32> -> vector<1024x256xf32>
    %add3A = arith.addf %dot_general3A_14, %dot_general3A_19 : vector<1024x256xf32>
    %get3A_20 = arith.constant 0 : index
    %get3A_21 = arith.constant 0 : index
    %get3A_22 = vector.load %arg7[%get3A_20, %get3A_21] : memref<1x256xf32, #tpu.memory_space<vmem>>, vector<1x256xf32>
    %add3A_23 = vector.broadcast %get3A_22 : vector<1x256xf32> to vector<1024x256xf32>
    %add3A_24 = arith.addf %add3A, %add3A_23 : vector<1024x256xf32>
    %max3A = arith.constant 0.000000e+00 : f32
    %max3A_25 = vector.broadcast %max3A : f32 to vector<1024x256xf32>
    %max3A_26 = arith.maximumf %add3A_24, %max3A_25 : vector<1024x256xf32>
    %get3A_27 = arith.constant 0 : index
    %get3A_28 = arith.constant 0 : index
    %get3A_29 = vector.load %arg8[%get3A_27, %get3A_28] : memref<256x128xf32, #tpu.memory_space<vmem>>, vector<256x128xf32>
    %dot_general3A_30 = arith.constant dense<0.000000e+00> : vector<1024x128xf32>
    %dot_general3A_31 = tpu.matmul %max3A_26, %get3A_29, %dot_general3A_30 {dimension_numbers = #tpu.dot_dimension_numbers<[1], [0], [0], [1], [0, 0, 1, 1], [], []>, transpose_lhs_hint = false} : vector<1024x256xf32>, vector<256x128xf32>, vector<1024x128xf32> -> vector<1024x128xf32>
    %get3A_32 = arith.constant 0 : index
    %get3A_33 = arith.constant 0 : index
    %get3A_34 = vector.load %arg9[%get3A_32, %get3A_33] : memref<1x128xf32, #tpu.memory_space<vmem>>, vector<1x128xf32>
    %add3A_35 = vector.broadcast %get3A_34 : vector<1x128xf32> to vector<1024x128xf32>
    %add3A_36 = arith.addf %dot_general3A_31, %add3A_35 : vector<1024x128xf32>
    %max3A_37 = arith.constant 0.000000e+00 : f32
    %max3A_38 = vector.broadcast %max3A_37 : f32 to vector<1024x128xf32>
    %max3A_39 = arith.maximumf %add3A_36, %max3A_38 : vector<1024x128xf32>
    %get3A_40 = arith.constant 0 : index
    %get3A_41 = arith.constant 0 : index
    %get3A_42 = vector.load %arg10[%get3A_40, %get3A_41] : memref<128x1xf32, #tpu.memory_space<vmem>>, vector<128x1xf32>
    %dot_general3A_43 = arith.constant dense<0.000000e+00> : vector<1024x1xf32>
    %dot_general3A_44 = tpu.matmul %max3A_39, %get3A_42, %dot_general3A_43 {dimension_numbers = #tpu.dot_dimension_numbers<[1], [0], [0], [1], [0, 0, 1, 1], [], []>, transpose_lhs_hint = false} : vector<1024x128xf32>, vector<128x1xf32>, vector<1024x1xf32> -> vector<1024x1xf32>
    %get3A_45 = arith.constant 0 : index
    %get3A_46 = arith.constant 0 : index
    %get3A_47 = vector.load %arg11[%get3A_45, %get3A_46] : memref<13x1xf32, #tpu.memory_space<vmem>>, vector<13x1xf32>
    %dot_general3A_48 = arith.constant dense<0.000000e+00> : vector<1024x1xf32>
    %dot_general3A_49 = tpu.matmul %get3A_7, %get3A_47, %dot_general3A_48 {dimension_numbers = #tpu.dot_dimension_numbers<[1], [0], [0], [1], [0, 0, 1, 1], [], []>, transpose_lhs_hint = false} : vector<1024x13xf32>, vector<13x1xf32>, vector<1024x1xf32> -> vector<1024x1xf32>
    %add3A_50 = arith.addf %dot_general3A_44, %dot_general3A_49 : vector<1024x1xf32>
    %get3A_51 = arith.constant 0 : index
    %get3A_52 = arith.constant 0 : index
    %get3A_53 = vector.load %arg3[%get3A_51, %get3A_52] : memref<1024x1xf32, #tpu.memory_space<vmem>>, vector<1024x1xf32>
    %get3A_54 = arith.constant 0 : index
    %get3A_55 = arith.constant 0 : index
    %get3A_56 = vector.load %arg12[%get3A_54, %get3A_55] : memref<1x1xf32, #tpu.memory_space<vmem>>, vector<1x1xf32>
    %get3A_57 = vector.extract %get3A_56[0, 0] : f32 from vector<1x1xf32>
    %add3A_58 = vector.broadcast %get3A_57 : f32 to vector<1024x1xf32>
    %add3A_59 = arith.addf %get3A_53, %add3A_58 : vector<1024x1xf32>
    %add3A_60 = arith.addf %add3A_50, %add3A_59 : vector<1024x1xf32>
    %logistic3A = arith.negf %add3A_60 : vector<1024x1xf32>
    %logistic3A_61 = math.exp %logistic3A : vector<1024x1xf32>
    %logistic3A_62 = arith.constant 1.000000e+00 : f32
    %logistic3A_63 = vector.broadcast %logistic3A_62 : f32 to vector<1024x1xf32>
    %logistic3A_64 = arith.addf %logistic3A_63, %logistic3A_61 : vector<1024x1xf32>
    %logistic3A_65 = arith.divf %logistic3A_63, %logistic3A_64 : vector<1024x1xf32>
    %swap3A = arith.constant 0 : index
    %swap3A_66 = arith.constant 0 : index
    %swap3A_67 = vector.load %arg13[%swap3A, %swap3A_66] : memref<1024x1xf32, #tpu.memory_space<vmem>>, vector<1024x1xf32>
    tpu.vector_store %arg13[%swap3A, %swap3A_66], %logistic3A_65 {strides = array<i32>} : memref<1024x1xf32, #tpu.memory_space<vmem>>, vector<1024x1xf32>,
    return
  }
  func.func @transform_0(%arg0: i32) -> (i32, i32) {
    %c0_i32 = arith.constant 0 : i32
    %c0_i32_0 = arith.constant 0 : i32
    return %arg0, %c0_i32 : i32, i32
  }
  func.func @transform_1(%arg0: i32) -> (i32, i32) {
    %c0_i32 = arith.constant 0 : i32
    %c0_i32_0 = arith.constant 0 : i32
    return %arg0, %c0_i32 : i32, i32
  }
  func.func @transform_2(%arg0: i32) -> (i32, i32) {
    %c0_i32 = arith.constant 0 : i32
    %c0_i32_0 = arith.constant 0 : i32
    return %arg0, %c0_i32 : i32, i32
  }
  func.func @transform_3(%arg0: i32) -> (i32, i32) {
    %c0_i32 = arith.constant 0 : i32
    %c0_i32_0 = arith.constant 0 : i32
    return %arg0, %c0_i32 : i32, i32
  }
  func.func @transform_4(%arg0: i32) -> (i32, i32) {
    %c0_i32 = arith.constant 0 : i32
    %c0_i32_0 = arith.constant 0 : i32
    %c0_i32_1 = arith.constant 0 : i32
    return %c0_i32, %c0_i32_0 : i32, i32
  }
  func.func @transform_5(%arg0: i32) -> (i32, i32) {
    %c0_i32 = arith.constant 0 : i32
    %c0_i32_0 = arith.constant 0 : i32
    %c0_i32_1 = arith.constant 0 : i32
    return %c0_i32, %c0_i32_0 : i32, i32
  }
  func.func @transform_6(%arg0: i32) -> (i32, i32) {
    %c0_i32 = arith.constant 0 : i32
    %c0_i32_0 = arith.constant 0 : i32
    %c0_i32_1 = arith.constant 0 : i32
    return %c0_i32, %c0_i32_0 : i32, i32
  }
  func.func @transform_7(%arg0: i32) -> (i32, i32) {
    %c0_i32 = arith.constant 0 : i32
    %c0_i32_0 = arith.constant 0 : i32
    %c0_i32_1 = arith.constant 0 : i32
    return %c0_i32, %c0_i32_0 : i32, i32
  }
  func.func @transform_8(%arg0: i32) -> (i32, i32) {
    %c0_i32 = arith.constant 0 : i32
    %c0_i32_0 = arith.constant 0 : i32
    %c0_i32_1 = arith.constant 0 : i32
    return %c0_i32, %c0_i32_0 : i32, i32
  }
  func.func @transform_9(%arg0: i32) -> (i32, i32) {
    %c0_i32 = arith.constant 0 : i32
    %c0_i32_0 = arith.constant 0 : i32
    %c0_i32_1 = arith.constant 0 : i32
    return %c0_i32, %c0_i32_0 : i32, i32
  }
  func.func @transform_10(%arg0: i32) -> (i32, i32) {
    %c0_i32 = arith.constant 0 : i32
    %c0_i32_0 = arith.constant 0 : i32
    %c0_i32_1 = arith.constant 0 : i32
    return %c0_i32, %c0_i32_0 : i32, i32
  }
  func.func @transform_11(%arg0: i32) -> (i32, i32) {
    %c0_i32 = arith.constant 0 : i32
    %c0_i32_0 = arith.constant 0 : i32
    %c0_i32_1 = arith.constant 0 : i32
    return %c0_i32, %c0_i32_0 : i32, i32
  }
  func.func @transform_12(%arg0: i32) -> (i32, i32) {
    %c0_i32 = arith.constant 0 : i32
    %c0_i32_0 = arith.constant 0 : i32
    return %arg0, %c0_i32 : i32, i32
  }
}

</mosaic_0001>

<sc_bundles>
// kernel: kernel.5.cloned.1.call-start
scs
__scs_entry_jumppad:
0x0: {  	(pc) =	sbr.rel $0x88, $3  }
0x1: {  	(tag) =	ssettag $0x0;
	lr =	simm.s32 $0x1  }
0x2: {  	[smem:$0x3F95] =	sst lr;
	_ =	strace $0xD0000000  }
0x3: {  	_ = 	snop  }
0x4: {  	_ = 	snop  }
0x5: {  	_ = 	snop  }
0x6: {  	_ = 	snop  }
0x7: {  	_ = 	snop  }
__scs_overlays_trampoline_lowered:
0x8: {  	[smem:$0x3FA4] =	sst s0  }
0x9: {  	[smem:$0x3FA5] =	sst s1  }
0xa: {  	[smem:$0x3FA6] =	sst s2  }
0xb: {  	[smem:$0x3FA7] =	sst s3  }
0xc: {  	[smem:$0x3FA8] =	sst s4  }
0xd: {  	[smem:$0x3FA9] =	sst s5  }
0xe: {  	[smem:$0x3FAA] =	sst s6  }
0xf: {  	[smem:$0x3FAB] =	sst s7  }
0x10: {  	[smem:$0x3FAC] =	sst s8  }
0x11: {  	[smem:$0x3FAD] =	sst s9;
	s0 =	simm.s32 @!p0 $0x0  }
0x12: {  	s1 =	sld [smem:$0x3F93];
	s0 =	simm.s32 @p0 $0x1  }
0x13: {  	[smem:$0x3FAE] =	sst s0;
	s0 =	simm.s32 @!p1 $0x0  }
0x14: {  	s2 =	sld [smem:$0x3F92];
	s0 =	simm.s32 @p1 $0x1  }
0x15: {  	[smem:$0x3FAF] =	sst s0;
	s0 =	simm.s32 @!p2 $0x0  }
0x16: {  	s3 =	sld [smem:$0x3FDB];
	s0 =	simm.s32 @p2 $0x1  }
0x17: {  	s4 =	simm.s32 $0x1BF5;
	[smem:$0x3FB1] =	sst s0  }
0x18: {  	s0 =	sld [smem:$0x3F94];
	_ =	swait.ge [sflag:s4], $0x0  }
0x19: {  	s7 =	sld [smem:$0x3F95]  }
0x1a: {  	s8 =	sadd.s32 $0xFFFFE003, lr  }
0x1b: {  	s9 =	sadd.s32 $0xFFFFFEF7, lr;
	s5 =	simm.s32 $0xFFFFFFFF;
	p2 =	slt.u32 s8, $0xFFFFF086  }
0x1c: {  	p1 =	slt.u32 s9, $0xF7A;
	s5 =	simm.s32 @!p2 $0x0  }
0x1d: {  	s5 =	simm.s32 @p1 $0x1;
	p0 =	seq.s32 s7, s2  }
0x1e: {  	s7 =	smul.u32 @!p0 $0xF7A, s2;
	p2 =	seq.s32 @!p0 s5, $0x0  }
0x1f: {  	s9 =	smul.u32 $0xF7A, s1;
	s8 =	simm.s32 @!p0 $0x1BF5;
	p2 =	por !p2, p0  }
0x20: {  	[sflag:s8] =	ssyncset.s32 @!p0 $0xFFFFF086;
	s6 =	sadd.s32 @!p0 s3, s7;
	s7 =	simm.s32 @!p0 $0x108  }
0x21: {  	s3 =	sadd.s32 s3, s9;
	s6 =	sadd.s32 @!p0 $0x88, s6;
	s7 =	simm.s32 @p2 $0x1082  }
0x22: {  	[simem:s7], [sflag:s8] =	dma.local @!p0 [hbm:s6], $0xF7A  }
0x23: {  	s9 =	sor.u32 $0xD0000000, s2;
	s6 =	simm.s32 $0x108;
	_ =	swait.ge @!p0 [sflag:s8], $0x0  }
0x24: {  	s3 =	sadd.s32 $0x88, s3;
	s6 =	simm.s32 @!p1 $0x1082;
	[sflag:s4] =	ssyncset.s32 $0xFFFFF086  }
0x25: {  	[simem:s6], [sflag:s4] =	dma.local [hbm:s3], $0xF7A  }
0x26: {  	[smem:$0x3F95] =	sst s1;
	(tag) =	ssettag s2;
	_ =	strace s9  }
0x27: {  	s1 =	sld [smem:$0x3FA5]  }
0x28: {  	s2 =	sld [smem:$0x3FA6]  }
0x29: {  	s4 =	sld [smem:$0x3FA8]  }
0x2a: {  	p0 =	seq.s32 s5, $0x0;
	s5 =	sld [smem:$0x3FA9]  }
0x2b: {  	s6 =	sld [smem:$0x3FAA]  }
0x2c: {  	s7 =	sld [smem:$0x3FAB]  }
0x2d: {  	s3 =	simm.s32 $0x108;
	s8 =	sld [smem:$0x3FAC]  }
0x2e: {  	s3 =	simm.s32 @!p0 $0x1082;
	s9 =	sld [smem:$0x3FAD]  }
0x2f: {  	lr =	sadd.s32 s0, s3;
	s0 =	sld [smem:$0x3FA4]  }
0x30: {  	s3 =	sld [smem:$0x3FA7]  }
0x31: {  	[smem:$0x3FB0] =	sst s10  }
0x32: {  	s10 =	sld [smem:$0x3FAE];
	_ =	sdelay $0x3  }
0x33: {  	p0 =	seq.s32 s10, $0x1;
	s10 =	sld [smem:$0x3FB0];
	_ =	sdelay $0x3  }
0x34: {  	[smem:$0x3FB0] =	sst s10  }
0x35: {  	s10 =	sld [smem:$0x3FAF];
	_ =	sdelay $0x3  }
0x36: {  	p1 =	seq.s32 s10, $0x1;
	s10 =	sld [smem:$0x3FB0];
	_ =	sdelay $0x3  }
0x37: {  	[smem:$0x3FB0] =	sst s10  }
0x38: {  	s10 =	sld [smem:$0x3FB1]  }
0x39: {  	_ = 	snop;
	(pc) =	sbr.ind lr, $3  }
0x3a: {  	_ = 	snop  }
0x3b: {  	_ = 	snop  }
0x3c: {  	p2 =	seq.s32 s10, $0x1;
	s10 =	sld [smem:$0x3FB0]  }
0x3d: {  	_ =	shalt  }
0x3e: {  	_ =	shalt  }
0x3f: {  	_ =	shalt  }
0x40: {  	_ =	shalt  }
0x41: {  	_ =	shalt  }
0x42: {  	_ =	shalt  }
0x43: {  	_ =	shalt  }
0x44: {  	_ =	shalt  }
0x45: {  	_ =	shalt  }
0x46: {  	_ =	shalt  }
0x47: {  	_ =	shalt  }
0x48: {  	_ =	shalt  }
0x49: {  	_ =	shalt  }
0x4a: {  	_ =	shalt  }
0x4b: {  	_ =	shalt  }
0x4c: {  	_ =	shalt  }
0x4d: {  	_ =	shalt  }
0x4e: {  	_ =	shalt  }
0x4f: {  	_ =	shalt  }
0x50: {  	_ =	shalt  }
0x51: {  	_ =	shalt  }
0x52: {  	_ =	shalt  }
0x53: {  	_ =	shalt  }
0x54: {  	_ =	shalt  }
0x55: {  	_ =	shalt  }
0x56: {  	_ =	shalt  }
0x57: {  	_ =	shalt  }
0x58: {  	_ =	shalt  }
0x59: {  	_ =	shalt  }
0x5a: {  	_ =	shalt  }
0x5b: {  	_ =	shalt  }
0x5c: {  	_ =	shalt  }
0x5d: {  	_ =	shalt  }
0x5e: {  	_ =	shalt  }
0x5f: {  	_ =	shalt  }
0x60: {  	_ =	shalt  }
0x61: {  	_ =	shalt  }
0x62: {  	_ =	shalt  }
0x63: {  	_ =	shalt  }
0x64: {  	_ =	shalt  }
0x65: {  	_ =	shalt  }
0x66: {  	_ =	shalt  }
0x67: {  	_ =	shalt  }
0x68: {  	_ =	shalt  }
0x69: {  	_ =	shalt  }
0x6a: {  	_ =	shalt  }
0x6b: {  	_ =	shalt  }
0x6c: {  	_ =	shalt  }
0x6d: {  	_ =	shalt  }
0x6e: {  	_ =	shalt  }
0x6f: {  	_ =	shalt  }
0x70: {  	_ =	shalt  }
0x71: {  	_ =	shalt  }
0x72: {  	_ =	shalt  }
0x73: {  	_ =	shalt  }
0x74: {  	_ =	shalt  }
0x75: {  	_ =	shalt  }
0x76: {  	_ =	shalt  }
0x77: {  	_ =	shalt  }
0x78: {  	_ =	shalt  }
0x79: {  	_ =	shalt  }
0x7a: {  	_ =	shalt  }
0x7b: {  	_ =	shalt  }
0x7c: {  	_ =	shalt  }
0x7d: {  	_ =	shalt  }
0x7e: {  	_ =	shalt  }
0x7f: {  	_ =	shalt  }
0x80: {  	_ =	shalt  }
0x81: {  	_ =	shalt  }
0x82: {  	_ =	shalt  }
0x83: {  	_ =	shalt  }
0x84: {  	_ =	shalt  }
0x85: {  	_ =	shalt  }
0x86: {  	_ =	shalt  }
0x87: {  	_ =	shalt  }
.Lfunc_end0:
.L_simem_size_0:
called_computation_lowered:
.L_overlay_start_0:
0x88: {  	s2 =	sld [smem:$0x3FD9]  }
0x89: {  	s3 =	sld [smem:$0x3FFE];
	_ =	sdelay $0x1  }
0x8a: {  	s1 =	srdreg.scid  }
0x8b: {  	s0 =	sand.u32 $0x1, s1  }
0x8c: {  	s17 =	sshll.u32 s0, $0xA;
	s2 =	sadd.s32 s3, s2  }
0x8d: {  	s2 =	sadd.s32 s2, s17  }
0x8e: {  	[smem:$0x3FBC] =	sst s2  }
0x8f: {  	_ = 	snop  }
0x90: {  	s2 =	sld [smem:$0x3FD0];
	(tm) =	ssettm $0x1  }
0x91: {  	s18 =	sld [smem:$0x3FFB];
	_ =	sdelay $0x3  }
0x92: {  	_ =	strace s18  }
0x93: {  	s3 =	sld [smem:$0x3FFC];
	_ =	sdelay $0x3  }
0x94: {  	_ =	strace s3  }
0x95: {  	s3 =	sld [smem:$0x3FFD];
	_ =	sdelay $0x3  }
0x96: {  	_ =	strace s3  }
0x97: {  	_ =	strace $0x8FFFFFFF  }
0x98: {  	s19 =	sld [smem:$0x3FDB];
	_ =	sdelay $0x1  }
0x99: {  	s4 =	simm.s32 $_scs_section_size  }
0x9a: {  	s5 =	simm.s32 $_size__tile_overlayer_lowered;
	s6 =	simm.s32 $_tile_overlayer_lowered  }
0x9b: {  	s22 =	simm.s32 $0x1BFF;
	s21 =	sshll.u32 s6, $0x1;
	s3 =	sadd.s32 s4, s19  }
0x9c: {  	s7 =	simm.s32 $0x0;
	s20 =	sshll.u32 s5, $0x1;
	s5 =	sadd.s32 s21, s3  }
0x9d: {  	[timem:s7], [sflag:s22] =	dma.local [hbm:s5], s20  }
0x9e: {  	_ =	swait.ge [sflag:s22], s20  }
0x9f: {  	s4 =	ssub.s32 $0x0, s20;
	[sflag:s22] =	ssyncset.done $0x0  }
0xa0: {  	[sflag:s22] =	ssyncadd.s32 s4;
	_ =	sdelay $0x1  }
0xa1: {  	s23 =	simm.s32 $0x1B8B  }
0xa2: {  	_ =	swait.ge [sflag:s23], $0x1  }
0xa3: {  	[sflag:s23] =	ssyncset.done $0x0  }
0xa4: {  	s25 =	simm.s32 $0x1B8E;
	s24 =	sld [smem:$0x3FFE];
	[sflag:s23] =	ssyncadd.s32 $0xFFFFFFFF  }
0xa5: {  	s26 =	simm.s32 $execute0_lowered;
	[smem:$0x3FD2] =	sst s25  }
0xa6: {  	s5 =	sshll.u32 s26, $0x1;
	_ =	strace $0x80000046;
	[dreg:$0x1] =	wrdreg $0xFFFFFFFF  }
0xa7: {  	s28 =	simm.s32 $_size_execute0_lowered;
	s3 =	sadd.s32 s3, s5;
	[dreg:$0x0] =	wrdreg $0x0  }
0xa8: {  	s5 =	sshll.u32 s28, $0x1;
	[dreg:$0x2] =	wrdreg s3  }
0xa9: {  	[dreg:$0x3] =	wrdreg s5  }
0xaa: {  	[dreg:$0x4] =	wrdreg $0xC0  }
0xab: {  	_ =	task [dreg:s7], $0x5FFFF  }
0xac: {  	[dreg:$0x1] =	wrdreg $0xFFFFFFFF  }
0xad: {  	[dreg:$0x0] =	wrdreg $0x60  }
0xae: {  	[dreg:$0x2] =	wrdreg s24  }
0xaf: {  	[dreg:$0x3] =	wrdreg s2  }
0xb0: {  	[dreg:$0x4] =	wrdreg $0x9  }
0xb1: {  	_ =	task.clear_ibuf [dreg:s7], $0x5FFFF;
	_ =	strace $0x90000046  }
0xb2: {  	s29 =	simm.s32 $0x9;
	_ =	strace $0x80000048  }
0xb3: {  	_ =	swait.ge [sflag:s29], $0x1  }
0xb4: {  	[sflag:s29] =	ssyncadd.s32 $0xFFFFFFFF  }
0xb5: {  	_ =	strace $0x90000048  }
0xb6: {  	_ =	sfence  }
0xb7: {  	s30 =	sld [smem:$0x0];
	_ =	sdelay $0x2  }
0xb8: {  	s31 =	sshll.u32 s1, $0xD;
	s1 =	sshrl.u32 s1, $0x2  }
0xb9: {  	s3 =	sand.u32 $0x4000, s31;
	s1 =	sadd.s32 s1, s30  }
0xba: {  	s0 =	sor.u32 s3, s0;
	s1 =	sshll.u32 s1, $0x11  }
0xbb: {  	s0 =	sor.u32 s1, s0  }
0xbc: {  	s0 =	sadd.s32 $0x8F2B, s0  }
0xbd: {  	[sflag:s0] =	ssyncadd.remote.s32 $0x1  }
0xbe: {  	_ =	sfence.sel $0xFFFF  }
0xbf: {  	[dreg:$0x0] =	wrdreg $0xFFFFFFFF;
	(pc) =	sbr.abs _section_cstart, $3  }
0xc0: {  	[dreg:$0x1] =	wrdreg $0xFFFFFFFF  }
0xc1: {  	_ =	task.clear_ibuf [dreg:s7], $0x2FFFF;
	_ =	strace $0x9FFFFFFF  }
0xc2: {  	(tm) =	ssettm $0x7FFFFFFF  }
0xc3: {  	_ =	shalt  }
tec
execute0_lowered:
.L_overlay_start_1:
0x0: {  	(tag) =	ssettag $0x1  }
0x1: {  	s9 =	rddreg [dreg:$0x0]  }
0x2: {  	s1 =	rddreg [dreg:$0x1]  }
0x3: {  	s0 =	rddreg [dreg:$0x2];
	s2 =	simm.s32 $0x0;
	s4 =	srdreg.scid  }
0x4: {  	s14 =	simm.s32 $0x680;
	s15 =	simm.s32 $0x40;
	s16 =	simm.s32 $0x1  }
0x5: {  	s17 =	simm.s32 $0x2;
	s18 =	simm.s32 $0xE380;
	s19 =	simm.s32 $0xEB80  }
0x6: {  	s20 =	simm.s32 $0xF380;
	s21 =	simm.s32 $0x0;
	[smem:$0x7FF] =	sst s2  }
0x7: {  	s3 =	sadd.s32 $0x6B400, s9;
	s5 =	sadd.s32 $0x1E00, s9;
	s6 =	sadd.s32 $0x5E400, s9  }
0x8: {  	s10 =	sand.u32 $0x1, s4;
	s7 =	sadd.s32 $0x51400, s9;
	s4 =	stileid.u32  }
0x9: {  	s8 =	sadd.s32 $0xA66600, s9;
	s9 =	sadd.s32 $0xA56600, s9;
	s11 =	ssub.s32 $0x2, s10  }
0xa: {  	_ =	strace $0x80000047;
	s13 =	sshll.u32 s4, $0x1;
	s12 =	sshrl.u32 s11, $0x1  }
0xb: {  	s31 =	sor.u32 s10, s13;
	s13 =	simm.s32 $0x3;
	s12 =	ssub.s32 s11, s12  }
0xc: {  	s10 =	sshll.u32 s31, $0x9;
	s11 =	smul.u32 $0x3400, s31;
	s12 =	smax.u32 s12, $0x1  }
.LBB2_1:
0xd: {  	s22 =	simm.s32 $0x0  }
.LBB2_2:
0xe: {  	s23 =	smul.u32 $0x680, s22;
	_ =	sdelay $0x1  }
0xf: {  	s23 =	sadd.s32 s11, s23  }
0x10: {  	s23 =	sshrl.u32 s23, $0x3  }
0x11: {  	s25 =	simm.s32 $0x0;
	s24 =	sadd.s32 s6, s23  }
0x12: {  	[tilespmem:s25], [sflag:$0x3] =	stream.linear.gather [hbm4b:s24+s25], $0x680, $0x38;
	[tilespmem:$0xF3C0] =	vst v63  }
0x13: {  	_ =	swait.ge [sflag:s13], $0x680  }
0x14: {  	[sflag:s13] =	ssyncset.done $0x0  }
0x15: {  	s23 =	sadd.s32 s7, s23;
	[sflag:s13] =	ssyncadd.s32 $0xFFFFF980  }
0x16: {  	[tilespmem:s14], [sflag:$0x3] =	stream.linear.gather [hbm4b:s23+s25], $0x680, $0x38;
	[tilespmem:$0xF3C0] =	vst v63  }
0x17: {  	_ =	swait.ge [sflag:s13], $0x680  }
0x18: {  	s29 =	simm.s32 $0x680;
	[sflag:s13] =	ssyncset.done $0x0  }
0x19: {  	s30 =	simm.s32 $0x0;
	s23 =	simm.s32 $0xD00;
	[sflag:s13] =	ssyncadd.s32 $0xFFFFF980  }
0x1a: {  	[tilespmem:s23], [sflag:$0x1] =	stream.indirect.gather [hbm4b:s3+s15], $0x20, s29, s15, $0xb8;
	[tilespmem:$0xF3C0] =	vst v63  }
0x1b: {  	s31 =	simm.s32 $0xDD00;
	s24 =	simm.s32 $0x100;
	s25 =	smov.u32 s5  }
0x1c: {  	[tilespmem:s31], [sflag:$0x2] =	stream.indirect.gather [hbm4b:s5+s15], $0x1, s30, s15, $0xb8;
	[tilespmem:$0xF3C0] =	vst v63  }
.LBB2_3:
0x1d: {  	p0 =	sne.s32 s24, $0x1900  }
.Ltmp0:
0x1e: {  	s26 =	sshra.s32 s24, $0x2;
	s24 =	sadd.s32 $0x100, s24;
	(pc) =	sbr.rel @p0 .LBB2_3-.Ltmp0, $4  }
0x1f: {  	s23 =	sadd.s32 $0x800, s23;
	s28 =	sadd.s32 $0x680, s26  }
0x20: {  	[tilespmem:s23], [sflag:$0x1] =	stream.indirect.gather [hbm4b:s3+s15], $0x20, s28, s15, $0xb8;
	[tilespmem:$0xF3C0] =	vst v63  }
0x21: {  	s25 =	sadd.s32 $0x30D4, s25;
	s28 =	sadd.s32 $0xDD00, s26  }
0x22: {  	[tilespmem:s28], [sflag:$0x2] =	stream.indirect.gather [hbm4b:s25+s15], $0x1, s26, s15, $0xb8;
	[tilespmem:$0xF3C0] =	vst v63  }
0x23: {  	_ =	swait.ge [sflag:s16], $0x800  }
0x24: {  	[sflag:s16] =	ssyncset.done $0x0  }
0x25: {  	[sflag:s16] =	ssyncadd.s32 $0xFFFFF800  }
0x26: {  	_ =	swait.ge [sflag:s17], $0x40  }
0x27: {  	s23 =	simm.s32 $0x19;
	[sflag:s17] =	ssyncset.done $0x0  }
.LBB2_5:
0x28: {  	p0 =	sne.s32 s23, $0x1;
	s23 =	sadd.s32 $0xFFFFFFFF, s23;
	[sflag:s17] =	ssyncadd.s32 $0xFFFFFFC0  }
.Ltmp1:
0x29: {  	_ =	swait.ge [sflag:s16], $0x800;
	(pc) =	sbr.rel @p0 .LBB2_5-.Ltmp1, $4  }
0x2a: {  	[sflag:s16] =	ssyncset.done $0x0  }
0x2b: {  	[sflag:s16] =	ssyncadd.s32 $0xFFFFF800  }
0x2c: {  	_ =	swait.ge [sflag:s17], $0x40  }
0x2d: {  	[sflag:s17] =	ssyncset.done $0x0  }
0x2e: {  	[sflag:s17] =	ssyncadd.s32 $0xFFFFFFC0;
	s23 =	simm.s32 $0x0  }
0x2f: {  	v0 =	vld [tilespmem:s23+$0xD10]  }
0x30: {  	v1 =	vld [tilespmem:s23+$0x1510]  }
0x31: {  	v2 =	vld [tilespmem:s23+$0xD00]  }
0x32: {  	v3 =	vld [tilespmem:s23+$0x1D10]  }
0x33: {  	v4 =	vld [tilespmem:s23+$0x1500]  }
0x34: {  	v5 =	vld [tilespmem:s23+$0x2510]  }
0x35: {  	v8 =	vld [tilespmem:s23+$0x1D00];
	v6 =	vadd.f32 $0.0e+00, v0;
	v0 =	vmul.f32 v0, v0;
	v7 =	vmul.f32 v1, v1  }
0x36: {  	v10 =	vld [tilespmem:s23+$0x2D10];
	v9 =	vadd.f32 $0.0e+00, v2  }
0x37: {  	v1 =	vadd.f32 v1, v6;
	v0 =	vadd.f32 v7, v0;
	v6 =	vmul.f32 v3, v3;
	v7 =	vld [tilespmem:s23+$0x2500]  }
0x38: {  	v11 =	vld [tilespmem:s23+$0x3510];
	v2 =	vmul.f32 v2, v2;
	v9 =	vadd.f32 v4, v9;
	v4 =	vmul.f32 v4, v4  }
0x39: {  	v1 =	vadd.f32 v3, v1;
	v0 =	vadd.f32 v6, v0;
	v3 =	vmul.f32 v5, v5;
	v6 =	vld [tilespmem:s23+$0x2D00]  }
0x3a: {  	v2 =	vadd.f32 v4, v2;
	v4 =	vadd.f32 v8, v9;
	v8 =	vmul.f32 v8, v8;
	v9 =	vld [tilespmem:s23+$0x3D10]  }
0x3b: {  	v1 =	vadd.f32 v5, v1;
	v0 =	vadd.f32 v3, v0;
	v3 =	vmul.f32 v10, v10;
	v5 =	vld [tilespmem:s23+$0x3500]  }
0x3c: {  	v2 =	vadd.f32 v8, v2;
	v8 =	vld [tilespmem:s23+$0x4510];
	v4 =	vadd.f32 v7, v4;
	v7 =	vmul.f32 v7, v7  }
0x3d: {  	v1 =	vadd.f32 v10, v1;
	v0 =	vadd.f32 v3, v0;
	v3 =	vmul.f32 v11, v11;
	v10 =	vld [tilespmem:s23+$0x3D00]  }
0x3e: {  	v2 =	vadd.f32 v7, v2;
	v4 =	vadd.f32 v6, v4;
	v6 =	vmul.f32 v6, v6;
	v7 =	vld [tilespmem:s23+$0x4D10]  }
0x3f: {  	v1 =	vadd.f32 v11, v1;
	v0 =	vadd.f32 v3, v0;
	v3 =	vmul.f32 v9, v9;
	v11 =	vld [tilespmem:s23+$0x4500]  }
0x40: {  	v2 =	vadd.f32 v6, v2;
	v4 =	vadd.f32 v5, v4;
	v5 =	vmul.f32 v5, v5;
	v6 =	vld [tilespmem:s23+$0x5510]  }
0x41: {  	v1 =	vadd.f32 v9, v1;
	v0 =	vadd.f32 v3, v0;
	v3 =	vmul.f32 v8, v8;
	v9 =	vld [tilespmem:s23+$0x4D00]  }
0x42: {  	v2 =	vadd.f32 v5, v2;
	v4 =	vadd.f32 v10, v4;
	v5 =	vmul.f32 v10, v10;
	v10 =	vld [tilespmem:s23+$0x5D10]  }
0x43: {  	v1 =	vadd.f32 v8, v1;
	v0 =	vadd.f32 v3, v0;
	v3 =	vmul.f32 v7, v7;
	v8 =	vld [tilespmem:s23+$0x5500]  }
0x44: {  	v2 =	vadd.f32 v5, v2;
	v4 =	vadd.f32 v11, v4;
	v5 =	vmul.f32 v11, v11;
	v11 =	vld [tilespmem:s23+$0x6510]  }
0x45: {  	v1 =	vadd.f32 v7, v1;
	v0 =	vadd.f32 v3, v0;
	v3 =	vmul.f32 v6, v6;
	v7 =	vld [tilespmem:s23+$0x5D00]  }
0x46: {  	v2 =	vadd.f32 v5, v2;
	v4 =	vadd.f32 v9, v4;
	v5 =	vmul.f32 v9, v9;
	v9 =	vld [tilespmem:s23+$0x6D10]  }
0x47: {  	v1 =	vadd.f32 v6, v1;
	v0 =	vadd.f32 v3, v0;
	v3 =	vmul.f32 v10, v10;
	v6 =	vld [tilespmem:s23+$0x6500]  }
0x48: {  	v2 =	vadd.f32 v5, v2;
	v4 =	vadd.f32 v8, v4;
	v5 =	vmul.f32 v8, v8;
	v8 =	vld [tilespmem:s23+$0x7510]  }
0x49: {  	v1 =	vadd.f32 v10, v1;
	v0 =	vadd.f32 v3, v0;
	v3 =	vmul.f32 v11, v11;
	v10 =	vld [tilespmem:s23+$0x6D00]  }
0x4a: {  	v2 =	vadd.f32 v5, v2;
	v4 =	vadd.f32 v7, v4;
	v5 =	vmul.f32 v7, v7;
	v7 =	vld [tilespmem:s23+$0x7D10]  }
0x4b: {  	v1 =	vadd.f32 v11, v1;
	v0 =	vadd.f32 v3, v0;
	v3 =	vmul.f32 v9, v9;
	v11 =	vld [tilespmem:s23+$0x7500]  }
0x4c: {  	v2 =	vadd.f32 v5, v2;
	v4 =	vadd.f32 v6, v4;
	v5 =	vmul.f32 v6, v6;
	v6 =	vld [tilespmem:s23+$0x8510]  }
0x4d: {  	v1 =	vadd.f32 v9, v1;
	v0 =	vadd.f32 v3, v0;
	v3 =	vmul.f32 v8, v8;
	v9 =	vld [tilespmem:s23+$0x7D00]  }
0x4e: {  	v2 =	vadd.f32 v5, v2;
	v4 =	vadd.f32 v10, v4;
	v5 =	vmul.f32 v10, v10;
	v10 =	vld [tilespmem:s23+$0x8D10]  }
0x4f: {  	v1 =	vadd.f32 v8, v1;
	v0 =	vadd.f32 v3, v0;
	v3 =	vmul.f32 v7, v7;
	v8 =	vld [tilespmem:s23+$0x8500]  }
0x50: {  	v2 =	vadd.f32 v5, v2;
	v4 =	vadd.f32 v11, v4;
	v5 =	vmul.f32 v11, v11;
	v11 =	vld [tilespmem:s23+$0x9510]  }
0x51: {  	v1 =	vadd.f32 v7, v1;
	v0 =	vadd.f32 v3, v0;
	v3 =	vmul.f32 v6, v6;
	v7 =	vld [tilespmem:s23+$0x8D00]  }
0x52: {  	v2 =	vadd.f32 v5, v2;
	v4 =	vadd.f32 v9, v4;
	v5 =	vmul.f32 v9, v9;
	v9 =	vld [tilespmem:s23+$0x9D10]  }
0x53: {  	v1 =	vadd.f32 v6, v1;
	v0 =	vadd.f32 v3, v0;
	v3 =	vmul.f32 v10, v10;
	v6 =	vld [tilespmem:s23+$0x9500]  }
0x54: {  	v2 =	vadd.f32 v5, v2;
	v4 =	vadd.f32 v8, v4;
	v5 =	vmul.f32 v8, v8;
	v8 =	vld [tilespmem:s23+$0xA510]  }
0x55: {  	v1 =	vadd.f32 v10, v1;
	v0 =	vadd.f32 v3, v0;
	v3 =	vmul.f32 v11, v11;
	v10 =	vld [tilespmem:s23+$0x9D00]  }
0x56: {  	v2 =	vadd.f32 v5, v2;
	v4 =	vadd.f32 v7, v4;
	v5 =	vmul.f32 v7, v7;
	v7 =	vld [tilespmem:s23+$0xAD10]  }
0x57: {  	v1 =	vadd.f32 v11, v1;
	v0 =	vadd.f32 v3, v0;
	v3 =	vmul.f32 v9, v9;
	v11 =	vld [tilespmem:s23+$0xA500]  }
0x58: {  	v2 =	vadd.f32 v5, v2;
	v4 =	vadd.f32 v6, v4;
	v5 =	vmul.f32 v6, v6;
	v6 =	vld [tilespmem:s23+$0xB510]  }
0x59: {  	v1 =	vadd.f32 v9, v1;
	v0 =	vadd.f32 v3, v0;
	v3 =	vmul.f32 v8, v8;
	v9 =	vld [tilespmem:s23+$0xAD00]  }
0x5a: {  	v2 =	vadd.f32 v5, v2;
	v4 =	vadd.f32 v10, v4;
	v5 =	vmul.f32 v10, v10;
	v10 =	vld [tilespmem:s23+$0xBD10]  }
0x5b: {  	v1 =	vadd.f32 v8, v1;
	v0 =	vadd.f32 v3, v0;
	v3 =	vmul.f32 v7, v7;
	v8 =	vld [tilespmem:s23+$0xB500]  }
0x5c: {  	v2 =	vadd.f32 v5, v2;
	v4 =	vadd.f32 v11, v4;
	v5 =	vmul.f32 v11, v11;
	v11 =	vld [tilespmem:s23+$0xC510]  }
0x5d: {  	v12 =	vld [tilespmem:s23+$0xBD00];
	v7 =	vadd.f32 v7, v1;
	v0 =	vadd.f32 v3, v0;
	v3 =	vmul.f32 v6, v6  }
0x5e: {  	v1 =	vld [tilespmem:s23+$0xCD10];
	v2 =	vadd.f32 v5, v2;
	v5 =	vadd.f32 v9, v4;
	v9 =	vmul.f32 v9, v9  }
0x5f: {  	v4 =	vld [tilespmem:s23+$0xC500];
	v6 =	vadd.f32 v6, v7;
	v3 =	vadd.f32 v3, v0;
	v7 =	vmul.f32 v10, v10  }
0x60: {  	v0 =	vld [tilespmem:s23+$0xD510];
	v2 =	vadd.f32 v9, v2;
	v9 =	vadd.f32 v8, v5;
	v8 =	vmul.f32 v8, v8  }
0x61: {  	v5 =	vld [tilespmem:s23+$0xCD00];
	v10 =	vadd.f32 v10, v6;
	v13 =	vadd.f32 v7, v3;
	v14 =	vmul.f32 v11, v11  }
0x62: {  	s25 =	simm.s32 $0x20;
	v7 =	vmul.f32 v12, v12;
	v6 =	vadd.f32 v8, v2;
	v8 =	vadd.f32 v12, v9;
	v2 =	vld [tilespmem:s23+$0xD500]  }
0x63: {  	s26 =	simm.s32 $0x100;
	s24 =	simm.s32 $0x0;
	v3 =	vld [tilespmem:s25+$0xD10];
	v9 =	vadd.f32 v11, v10;
	v10 =	vadd.f32 v14, v13;
	v11 =	vmul.f32 v1, v1  }
.LBB2_7:
0x64: {  	p0 =	sne.s32 s26, $0x1F80;
	v12 =	vld [tilespmem:s25+$0x1510];
	v6 =	vadd.f32 v7, v6;
	v7 =	vadd.f32 v4, v8;
	v4 =	vmul.f32 v4, v4  }
0x65: {  	v8 =	vld [tilespmem:s25+$0xD00];
	v1 =	vadd.f32 v1, v9;
	v9 =	vadd.f32 v11, v10;
	v10 =	vmul.f32 v0, v0  }
0x66: {  	v11 =	vld [tilespmem:s25+$0x1D10];
	v4 =	vadd.f32 v4, v6;
	v6 =	vadd.f32 v5, v7;
	v5 =	vmul.f32 v5, v5  }
0x67: {  	v7 =	vld [tilespmem:s25+$0x1500];
	v0 =	vadd.f32 v0, v1;
	v1 =	vmul.f32 v2, v2;
	v9 =	vadd.f32 v10, v9  }
0x68: {  	v10 =	vadd.f32 $0.0e+00, v3;
	v13 =	vld [tilespmem:s25+$0x2510];
	v4 =	vadd.f32 v5, v4  }
0x69: {  	v3 =	vmul.f32 v3, v3;
	v2 =	vadd.f32 v2, v6;
	v5 =	vmul.f32 v12, v12;
	v14 =	vld [tilespmem:s25+$0x1D00];
	[tilespmem:s24+$0xEB90] =	vst v9  }
0x6a: {  	v6 =	vadd.f32 $0.0e+00, v8;
	v8 =	vmul.f32 v8, v8;
	v9 =	vadd.f32 v12, v10;
	v10 =	vld [tilespmem:s25+$0x2D10];
	[tilespmem:s24+$0xE390] =	vst v0  }
0x6b: {  	v1 =	vadd.f32 v1, v4;
	v0 =	vadd.f32 v5, v3;
	v3 =	vmul.f32 v11, v11;
	v5 =	vld [tilespmem:s25+$0x2500];
	[tilespmem:s24+$0xE380] =	vst v2  }
0x6c: {  	v2 =	vadd.f32 v7, v6;
	v4 =	vmul.f32 v7, v7;
	v6 =	vadd.f32 v11, v9;
	v7 =	vld [tilespmem:s25+$0x3510]  }
0x6d: {  	v0 =	vadd.f32 v3, v0;
	v3 =	vmul.f32 v13, v13;
	v9 =	vld [tilespmem:s25+$0x2D00];
	[tilespmem:s24+$0xEB80] =	vst v1;
	s24 =	smov.u32 s25  }
0x6e: {  	v1 =	vadd.f32 v4, v8;
	v2 =	vadd.f32 v14, v2;
	v4 =	vmul.f32 v14, v14;
	v8 =	vld [tilespmem:s24+$0x3D10]  }
0x6f: {  	v6 =	vadd.f32 v13, v6;
	v0 =	vadd.f32 v3, v0;
	v3 =	vmul.f32 v10, v10;
	v11 =	vld [tilespmem:s24+$0x3500]  }
0x70: {  	v1 =	vadd.f32 v4, v1;
	v2 =	vadd.f32 v5, v2;
	v4 =	vmul.f32 v5, v5;
	v5 =	vld [tilespmem:s24+$0x4510]  }
0x71: {  	v6 =	vadd.f32 v10, v6;
	v0 =	vadd.f32 v3, v0;
	v3 =	vmul.f32 v7, v7;
	v10 =	vld [tilespmem:s24+$0x3D00]  }
0x72: {  	v1 =	vadd.f32 v4, v1;
	v2 =	vadd.f32 v9, v2;
	v4 =	vmul.f32 v9, v9;
	v9 =	vld [tilespmem:s24+$0x4D10]  }
0x73: {  	v6 =	vadd.f32 v7, v6;
	v0 =	vadd.f32 v3, v0;
	v3 =	vmul.f32 v8, v8;
	v7 =	vld [tilespmem:s24+$0x4500]  }
0x74: {  	v1 =	vadd.f32 v4, v1;
	v2 =	vadd.f32 v11, v2;
	v4 =	vmul.f32 v11, v11;
	v11 =	vld [tilespmem:s24+$0x5510]  }
0x75: {  	v6 =	vadd.f32 v8, v6;
	v0 =	vadd.f32 v3, v0;
	v3 =	vmul.f32 v5, v5;
	v8 =	vld [tilespmem:s24+$0x4D00]  }
0x76: {  	v1 =	vadd.f32 v4, v1;
	v2 =	vadd.f32 v10, v2;
	v4 =	vmul.f32 v10, v10;
	v10 =	vld [tilespmem:s24+$0x5D10]  }
0x77: {  	v5 =	vadd.f32 v5, v6;
	v0 =	vadd.f32 v3, v0;
	v3 =	vmul.f32 v9, v9;
	v6 =	vld [tilespmem:s24+$0x5500]  }
0x78: {  	v1 =	vadd.f32 v4, v1;
	v2 =	vadd.f32 v7, v2;
	v4 =	vmul.f32 v7, v7;
	v7 =	vld [tilespmem:s24+$0x6510]  }
0x79: {  	v5 =	vadd.f32 v9, v5;
	v0 =	vadd.f32 v3, v0;
	v3 =	vmul.f32 v11, v11;
	v9 =	vld [tilespmem:s24+$0x5D00]  }
0x7a: {  	v1 =	vadd.f32 v4, v1;
	v2 =	vadd.f32 v8, v2;
	v4 =	vmul.f32 v8, v8;
	v8 =	vld [tilespmem:s24+$0x6D10]  }
0x7b: {  	v5 =	vadd.f32 v11, v5;
	v0 =	vadd.f32 v3, v0;
	v3 =	vmul.f32 v10, v10;
	v11 =	vld [tilespmem:s24+$0x6500]  }
0x7c: {  	v1 =	vadd.f32 v4, v1;
	v2 =	vadd.f32 v6, v2;
	v4 =	vmul.f32 v6, v6;
	v6 =	vld [tilespmem:s24+$0x7510]  }
0x7d: {  	v5 =	vadd.f32 v10, v5;
	v0 =	vadd.f32 v3, v0;
	v3 =	vmul.f32 v7, v7;
	v10 =	vld [tilespmem:s24+$0x6D00]  }
0x7e: {  	v1 =	vadd.f32 v4, v1;
	v2 =	vadd.f32 v9, v2;
	v4 =	vmul.f32 v9, v9;
	v9 =	vld [tilespmem:s24+$0x7D10]  }
0x7f: {  	v5 =	vadd.f32 v7, v5;
	v0 =	vadd.f32 v3, v0;
	v3 =	vmul.f32 v8, v8;
	v7 =	vld [tilespmem:s24+$0x7500]  }
0x80: {  	v1 =	vadd.f32 v4, v1;
	v2 =	vadd.f32 v11, v2;
	v4 =	vmul.f32 v11, v11;
	v11 =	vld [tilespmem:s24+$0x8510]  }
0x81: {  	v5 =	vadd.f32 v8, v5;
	v0 =	vadd.f32 v3, v0;
	v3 =	vmul.f32 v6, v6;
	v8 =	vld [tilespmem:s24+$0x7D00]  }
0x82: {  	v1 =	vadd.f32 v4, v1;
	v2 =	vadd.f32 v10, v2;
	v4 =	vmul.f32 v10, v10;
	v10 =	vld [tilespmem:s24+$0x8D10]  }
0x83: {  	v5 =	vadd.f32 v6, v5;
	v0 =	vadd.f32 v3, v0;
	v3 =	vmul.f32 v9, v9;
	v6 =	vld [tilespmem:s24+$0x8500]  }
0x84: {  	v1 =	vadd.f32 v4, v1;
	v2 =	vadd.f32 v7, v2;
	v4 =	vmul.f32 v7, v7;
	v7 =	vld [tilespmem:s24+$0x9510]  }
0x85: {  	v5 =	vadd.f32 v9, v5;
	v0 =	vadd.f32 v3, v0;
	v3 =	vmul.f32 v11, v11;
	v9 =	vld [tilespmem:s24+$0x8D00]  }
0x86: {  	v1 =	vadd.f32 v4, v1;
	v2 =	vadd.f32 v8, v2;
	v4 =	vmul.f32 v8, v8;
	v8 =	vld [tilespmem:s24+$0x9D10]  }
0x87: {  	v5 =	vadd.f32 v11, v5;
	v0 =	vadd.f32 v3, v0;
	v3 =	vmul.f32 v10, v10;
	v11 =	vld [tilespmem:s24+$0x9500]  }
0x88: {  	v1 =	vadd.f32 v4, v1;
	v2 =	vadd.f32 v6, v2;
	v4 =	vmul.f32 v6, v6;
	v6 =	vld [tilespmem:s24+$0xA510]  }
0x89: {  	v5 =	vadd.f32 v10, v5;
	v0 =	vadd.f32 v3, v0;
	v3 =	vmul.f32 v7, v7;
	v10 =	vld [tilespmem:s24+$0x9D00]  }
0x8a: {  	v1 =	vadd.f32 v4, v1;
	v2 =	vadd.f32 v9, v2;
	v4 =	vmul.f32 v9, v9;
	v9 =	vld [tilespmem:s24+$0xAD10]  }
0x8b: {  	v5 =	vadd.f32 v7, v5;
	v0 =	vadd.f32 v3, v0;
	v3 =	vmul.f32 v8, v8;
	v7 =	vld [tilespmem:s24+$0xA500]  }
0x8c: {  	v1 =	vadd.f32 v4, v1;
	v2 =	vadd.f32 v11, v2;
	v4 =	vmul.f32 v11, v11;
	v11 =	vld [tilespmem:s24+$0xB510]  }
0x8d: {  	v5 =	vadd.f32 v8, v5;
	v0 =	vadd.f32 v3, v0;
	v3 =	vmul.f32 v6, v6;
	v8 =	vld [tilespmem:s24+$0xAD00]  }
0x8e: {  	v1 =	vadd.f32 v4, v1;
	v2 =	vadd.f32 v10, v2;
	v4 =	vmul.f32 v10, v10;
	v10 =	vld [tilespmem:s24+$0xBD10]  }
0x8f: {  	v5 =	vadd.f32 v6, v5;
	v0 =	vadd.f32 v3, v0;
	v3 =	vmul.f32 v9, v9;
	v6 =	vld [tilespmem:s24+$0xB500]  }
0x90: {  	v1 =	vadd.f32 v4, v1;
	v2 =	vadd.f32 v7, v2;
	v4 =	vmul.f32 v7, v7;
	v12 =	vld [tilespmem:s24+$0xC510]  }
0x91: {  	v5 =	vadd.f32 v9, v5;
	v0 =	vadd.f32 v3, v0;
	v3 =	vmul.f32 v11, v11;
	v7 =	vld [tilespmem:s24+$0xBD00]  }
0x92: {  	v9 =	vadd.f32 v4, v1;
	v2 =	vadd.f32 v8, v2;
	v8 =	vmul.f32 v8, v8;
	v1 =	vld [tilespmem:s24+$0xCD10]  }
.Ltmp2:
0x93: {  	v5 =	vadd.f32 v11, v5;
	v3 =	vadd.f32 v3, v0;
	v11 =	vmul.f32 v10, v10;
	v4 =	vld [tilespmem:s24+$0xC500];
	(pc) =	sbr.rel @p0 .LBB2_7-.Ltmp2, $4  }
0x94: {  	v8 =	vadd.f32 v8, v9;
	v2 =	vadd.f32 v6, v2;
	v6 =	vmul.f32 v6, v6;
	v0 =	vld [tilespmem:s24+$0xD510]  }
0x95: {  	v9 =	vadd.f32 v10, v5;
	v10 =	vadd.f32 v11, v3;
	v11 =	vmul.f32 v12, v12;
	v5 =	vld [tilespmem:s24+$0xCD00]  }
0x96: {  	s25 =	sshra.s32 s26, $0x2;
	v6 =	vadd.f32 v6, v8;
	v8 =	vadd.f32 v7, v2;
	v7 =	vmul.f32 v7, v7;
	v2 =	vld [tilespmem:s24+$0xD500]  }
0x97: {  	s26 =	sadd.s32 $0x80, s26;
	v9 =	vadd.f32 v12, v9;
	v3 =	vld [tilespmem:s25+$0xD10];
	v10 =	vadd.f32 v11, v10;
	v11 =	vmul.f32 v1, v1  }
0x98: {  	v12 =	vld [tilespmem:s25+$0x1510]  }
0x99: {  	v13 =	vld [tilespmem:s25+$0xD00];
	v8 =	vadd.f32 v4, v8;
	v10 =	vadd.f32 v11, v10;
	v63 =	vmul.f32 v0, v0  }
0x9a: {  	v14 =	vld [tilespmem:s25+$0x1D10];
	v6 =	vadd.f32 v7, v6;
	v4 =	vmul.f32 v4, v4;
	v1 =	vadd.f32 v1, v9  }
0x9b: {  	v16 =	vld [tilespmem:s25+$0x1500];
	v8 =	vadd.f32 v5, v8;
	v10 =	vadd.f32 v63, v10  }
0x9c: {  	v17 =	vld [tilespmem:s25+$0x2510];
	v0 =	vadd.f32 v0, v1;
	v1 =	vadd.f32 v4, v6;
	v4 =	vmul.f32 v5, v5  }
0x9d: {  	v18 =	vld [tilespmem:s25+$0x1D00];
	v19 =	vmul.f32 v2, v2;
	v2 =	vadd.f32 v2, v8;
	[tilespmem:s24+$0xEB90] =	vst v10  }
0x9e: {  	v5 =	vld [tilespmem:s25+$0x2D10];
	[tilespmem:s24+$0xE390] =	vst v0;
	v0 =	vadd.f32 v4, v1;
	v1 =	vmul.f32 v3, v3;
	v4 =	vmul.f32 v12, v12  }
0x9f: {  	v21 =	vadd.f32 $0.0e+00, v13;
	v3 =	vadd.f32 $0.0e+00, v3  }
0xa0: {  	v20 =	vld [tilespmem:s25+$0x2500];
	[tilespmem:s24+$0xE380] =	vst v2;
	v2 =	vmul.f32 v14, v14;
	v1 =	vadd.f32 v4, v1;
	v0 =	vadd.f32 v19, v0  }
0xa1: {  	v22 =	vmul.f32 v13, v13;
	v23 =	vmul.f32 v16, v16;
	v4 =	vld [tilespmem:s25+$0x3510];
	v3 =	vadd.f32 v12, v3  }
0xa2: {  	v9 =	vadd.f32 v16, v21;
	v24 =	vld [tilespmem:s25+$0x2D00];
	v1 =	vadd.f32 v2, v1;
	v2 =	vmul.f32 v17, v17;
	[tilespmem:s24+$0xEB80] =	vst v0  }
0xa3: {  	v25 =	vmul.f32 v18, v18;
	v0 =	vadd.f32 v14, v3;
	v3 =	vadd.f32 v23, v22;
	v26 =	vld [tilespmem:s25+$0x3D10]  }
0xa4: {  	v7 =	vadd.f32 v18, v9;
	v27 =	vld [tilespmem:s25+$0x3500];
	v1 =	vadd.f32 v2, v1;
	v2 =	vmul.f32 v5, v5  }
0xa5: {  	v29 =	vld [tilespmem:s25+$0x4510];
	v0 =	vadd.f32 v17, v0;
	v3 =	vadd.f32 v25, v3;
	v28 =	vmul.f32 v20, v20  }
0xa6: {  	v30 =	vld [tilespmem:s25+$0x3D00];
	v7 =	vadd.f32 v20, v7;
	v1 =	vadd.f32 v2, v1;
	v2 =	vmul.f32 v4, v4  }
0xa7: {  	v31 =	vld [tilespmem:s25+$0x4D10];
	v0 =	vadd.f32 v5, v0;
	v3 =	vadd.f32 v28, v3;
	v5 =	vmul.f32 v24, v24  }
0xa8: {  	v32 =	vld [tilespmem:s25+$0x4500];
	v7 =	vadd.f32 v24, v7;
	v1 =	vadd.f32 v2, v1;
	v2 =	vmul.f32 v26, v26  }
0xa9: {  	v0 =	vadd.f32 v4, v0;
	v3 =	vadd.f32 v5, v3;
	v4 =	vmul.f32 v27, v27;
	v5 =	vld [tilespmem:s25+$0x5510]  }
0xaa: {  	v33 =	vld [tilespmem:s25+$0x4D00];
	v7 =	vadd.f32 v27, v7;
	v1 =	vadd.f32 v2, v1;
	v2 =	vmul.f32 v29, v29  }
0xab: {  	v34 =	vld [tilespmem:s25+$0x5D10];
	v0 =	vadd.f32 v26, v0;
	v3 =	vadd.f32 v4, v3;
	v4 =	vmul.f32 v30, v30  }
0xac: {  	v35 =	vld [tilespmem:s25+$0x5500];
	v7 =	vadd.f32 v30, v7;
	v1 =	vadd.f32 v2, v1;
	v2 =	vmul.f32 v31, v31  }
0xad: {  	v36 =	vld [tilespmem:s25+$0x6510];
	v0 =	vadd.f32 v29, v0;
	v3 =	vadd.f32 v4, v3;
	v4 =	vmul.f32 v32, v32  }
0xae: {  	v37 =	vld [tilespmem:s25+$0x5D00];
	v7 =	vadd.f32 v32, v7;
	v1 =	vadd.f32 v2, v1;
	v2 =	vmul.f32 v5, v5  }
0xaf: {  	v38 =	vld [tilespmem:s25+$0x6D10];
	v0 =	vadd.f32 v31, v0;
	v3 =	vadd.f32 v4, v3;
	v4 =	vmul.f32 v33, v33  }
0xb0: {  	v39 =	vld [tilespmem:s25+$0x6500];
	v7 =	vadd.f32 v33, v7;
	v1 =	vadd.f32 v2, v1;
	v2 =	vmul.f32 v34, v34  }
0xb1: {  	v0 =	vadd.f32 v5, v0;
	v3 =	vadd.f32 v4, v3;
	v4 =	vmul.f32 v35, v35;
	v5 =	vld [tilespmem:s25+$0x7510]  }
0xb2: {  	v40 =	vld [tilespmem:s25+$0x6D00];
	v7 =	vadd.f32 v35, v7;
	v1 =	vadd.f32 v2, v1;
	v2 =	vmul.f32 v36, v36  }
0xb3: {  	v41 =	vld [tilespmem:s25+$0x7D10];
	v0 =	vadd.f32 v34, v0;
	v3 =	vadd.f32 v4, v3;
	v4 =	vmul.f32 v37, v37  }
0xb4: {  	v42 =	vld [tilespmem:s25+$0x7500];
	v7 =	vadd.f32 v37, v7;
	v1 =	vadd.f32 v2, v1;
	v2 =	vmul.f32 v38, v38  }
0xb5: {  	v43 =	vld [tilespmem:s25+$0x8510];
	v0 =	vadd.f32 v36, v0;
	v3 =	vadd.f32 v4, v3;
	v4 =	vmul.f32 v39, v39  }
0xb6: {  	v44 =	vld [tilespmem:s25+$0x7D00];
	v7 =	vadd.f32 v39, v7;
	v1 =	vadd.f32 v2, v1;
	v2 =	vmul.f32 v5, v5  }
0xb7: {  	v45 =	vld [tilespmem:s25+$0x8D10];
	v0 =	vadd.f32 v38, v0;
	v3 =	vadd.f32 v4, v3;
	v4 =	vmul.f32 v40, v40  }
0xb8: {  	v46 =	vld [tilespmem:s25+$0x8500];
	v7 =	vadd.f32 v40, v7;
	v1 =	vadd.f32 v2, v1;
	v2 =	vmul.f32 v41, v41  }
0xb9: {  	v0 =	vadd.f32 v5, v0;
	v3 =	vadd.f32 v4, v3;
	v4 =	vmul.f32 v42, v42;
	v5 =	vld [tilespmem:s25+$0x9510]  }
0xba: {  	v47 =	vld [tilespmem:s25+$0x8D00];
	v7 =	vadd.f32 v42, v7;
	v1 =	vadd.f32 v2, v1;
	v2 =	vmul.f32 v43, v43  }
0xbb: {  	v48 =	vld [tilespmem:s25+$0x9D10];
	v0 =	vadd.f32 v41, v0;
	v3 =	vadd.f32 v4, v3;
	v4 =	vmul.f32 v44, v44  }
0xbc: {  	v49 =	vld [tilespmem:s25+$0x9500];
	v7 =	vadd.f32 v44, v7;
	v1 =	vadd.f32 v2, v1;
	v2 =	vmul.f32 v45, v45  }
0xbd: {  	v50 =	vld [tilespmem:s25+$0xA510];
	v0 =	vadd.f32 v43, v0;
	v3 =	vadd.f32 v4, v3;
	v4 =	vmul.f32 v46, v46  }
0xbe: {  	v51 =	vld [tilespmem:s25+$0x9D00];
	v7 =	vadd.f32 v46, v7;
	v1 =	vadd.f32 v2, v1;
	v2 =	vmul.f32 v5, v5  }
0xbf: {  	v52 =	vld [tilespmem:s25+$0xAD10];
	v0 =	vadd.f32 v45, v0;
	v3 =	vadd.f32 v4, v3;
	v4 =	vmul.f32 v47, v47  }
0xc0: {  	v53 =	vld [tilespmem:s25+$0xA500];
	v7 =	vadd.f32 v47, v7;
	v1 =	vadd.f32 v2, v1;
	v2 =	vmul.f32 v48, v48  }
0xc1: {  	v0 =	vadd.f32 v5, v0;
	v3 =	vadd.f32 v4, v3;
	v4 =	vmul.f32 v49, v49;
	v5 =	vld [tilespmem:s25+$0xB510]  }
0xc2: {  	v54 =	vld [tilespmem:s25+$0xAD00];
	v7 =	vadd.f32 v49, v7;
	v1 =	vadd.f32 v2, v1;
	v2 =	vmul.f32 v50, v50  }
0xc3: {  	v55 =	vld [tilespmem:s25+$0xBD10];
	v0 =	vadd.f32 v48, v0;
	v3 =	vadd.f32 v4, v3;
	v4 =	vmul.f32 v51, v51  }
0xc4: {  	v56 =	vld [tilespmem:s25+$0xB500];
	v7 =	vadd.f32 v51, v7;
	v1 =	vadd.f32 v2, v1;
	v2 =	vmul.f32 v52, v52  }
0xc5: {  	v57 =	vld [tilespmem:s25+$0xC510];
	v0 =	vadd.f32 v50, v0;
	v3 =	vadd.f32 v4, v3;
	v4 =	vmul.f32 v53, v53  }
0xc6: {  	v58 =	vld [tilespmem:s25+$0xBD00];
	v7 =	vadd.f32 v53, v7;
	v1 =	vadd.f32 v2, v1;
	v2 =	vmul.f32 v5, v5  }
0xc7: {  	v59 =	vld [tilespmem:s25+$0xCD10];
	v0 =	vadd.f32 v52, v0;
	v3 =	vadd.f32 v4, v3;
	v4 =	vmul.f32 v54, v54  }
0xc8: {  	v60 =	vld [tilespmem:s25+$0xC500];
	v7 =	vadd.f32 v54, v7;
	v1 =	vadd.f32 v2, v1;
	v2 =	vmul.f32 v55, v55  }
0xc9: {  	v0 =	vadd.f32 v5, v0;
	v3 =	vadd.f32 v4, v3;
	v4 =	vmul.f32 v56, v56;
	v5 =	vld [tilespmem:s25+$0xD510]  }
0xca: {  	v61 =	vld [tilespmem:s25+$0xCD00];
	v7 =	vadd.f32 v56, v7;
	v1 =	vadd.f32 v2, v1;
	v2 =	vmul.f32 v57, v57  }
0xcb: {  	v0 =	vadd.f32 v55, v0;
	v3 =	vadd.f32 v4, v3;
	v4 =	vmul.f32 v58, v58  }
0xcc: {  	v62 =	vld [tilespmem:s25+$0xD500];
	v7 =	vadd.f32 v58, v7;
	v1 =	vadd.f32 v2, v1;
	v2 =	vmul.f32 v59, v59  }
0xcd: {  	v0 =	vadd.f32 v57, v0;
	v3 =	vadd.f32 v4, v3;
	v4 =	vmul.f32 v60, v60  }
0xce: {  	v7 =	vadd.f32 v60, v7;
	v1 =	vadd.f32 v2, v1;
	v2 =	vmul.f32 v5, v5  }
0xcf: {  	v0 =	vadd.f32 v59, v0;
	v3 =	vadd.f32 v4, v3;
	v4 =	vmul.f32 v61, v61  }
0xd0: {  	v63 =	vadd.f32 v61, v7;
	v1 =	vadd.f32 v2, v1  }
0xd1: {  	v0 =	vadd.f32 v5, v0;
	v2 =	vmul.f32 v62, v62;
	v3 =	vadd.f32 v4, v3  }
0xd2: {  	v4 =	vadd.f32 v62, v63;
	[tilespmem:s25+$0xEB90] =	vst v1  }
0xd3: {  	[tilespmem:s25+$0xE390] =	vst v0;
	v0 =	vadd.f32 v2, v3  }
0xd4: {  	[tilespmem:s25+$0xE380] =	vst v4  }
0xd5: {  	[tilespmem:s25+$0xEB80] =	vst v0  }
0xd6: {  	v0 =	vld [tilespmem:s23+$0xDD00];
	_ =	sdelay $0x1  }
0xd7: {  	v1 =	vld [tilespmem:s23+$0xDD40];
	_ =	sdelay $0x1  }
0xd8: {  	v2 =	vld [tilespmem:s23+$0xDD80]  }
0xd9: {  	v0 =	vadd.f32 $0.0e+00, v0  }
0xda: {  	v3 =	vld [tilespmem:s23+$0xDDC0]  }
0xdb: {  	v0 =	vadd.f32 v1, v0  }
0xdc: {  	v1 =	vld [tilespmem:s23+$0xDE00]  }
0xdd: {  	v0 =	vadd.f32 v2, v0  }
0xde: {  	v2 =	vld [tilespmem:s23+$0xDE40]  }
0xdf: {  	v0 =	vadd.f32 v3, v0  }
0xe0: {  	v3 =	vld [tilespmem:s23+$0xDE80]  }
0xe1: {  	v0 =	vadd.f32 v1, v0  }
0xe2: {  	v1 =	vld [tilespmem:s23+$0xDEC0]  }
0xe3: {  	v0 =	vadd.f32 v2, v0  }
0xe4: {  	v2 =	vld [tilespmem:s23+$0xDF00]  }
0xe5: {  	v0 =	vadd.f32 v3, v0  }
0xe6: {  	v3 =	vld [tilespmem:s23+$0xDF40]  }
0xe7: {  	v0 =	vadd.f32 v1, v0  }
0xe8: {  	v4 =	vld [tilespmem:s23+$0xDF80]  }
0xe9: {  	v0 =	vadd.f32 v2, v0  }
0xea: {  	v2 =	vld [tilespmem:s23+$0xDFC0]  }
0xeb: {  	v0 =	vadd.f32 v3, v0  }
0xec: {  	v1 =	vld [tilespmem:s23+$0xE000]  }
0xed: {  	v3 =	vadd.f32 v4, v0  }
0xee: {  	v0 =	vld [tilespmem:s23+$0xE040]  }
0xef: {  	v3 =	vadd.f32 v2, v3  }
0xf0: {  	s24 =	simm.s32 $0x10;
	s25 =	simm.s32 $0x80;
	v2 =	vld [tilespmem:s23+$0xE080]  }
.LBB2_9:
0xf1: {  	p0 =	sne.s32 s25, $0xC0;
	v4 =	vld [tilespmem:s24+$0xDD00];
	v1 =	vadd.f32 v1, v3  }
0xf2: {  	v3 =	vld [tilespmem:s23+$0xE0C0]  }
0xf3: {  	v5 =	vld [tilespmem:s24+$0xDD40];
	v0 =	vadd.f32 v0, v1  }
0xf4: {  	v1 =	vld [tilespmem:s23+$0xE100]  }
0xf5: {  	v6 =	vld [tilespmem:s24+$0xDD80];
	v0 =	vadd.f32 v2, v0  }
0xf6: {  	v2 =	vadd.f32 $0.0e+00, v4;
	v4 =	vld [tilespmem:s23+$0xE140]  }
0xf7: {  	v7 =	vld [tilespmem:s24+$0xDDC0];
	v0 =	vadd.f32 v3, v0  }
0xf8: {  	v2 =	vadd.f32 v5, v2;
	v3 =	vld [tilespmem:s23+$0xE180]  }
0xf9: {  	v5 =	vld [tilespmem:s24+$0xDE00];
	v0 =	vadd.f32 v1, v0  }
0xfa: {  	v1 =	vadd.f32 v6, v2;
	v2 =	vld [tilespmem:s23+$0xE1C0]  }
0xfb: {  	v6 =	vld [tilespmem:s24+$0xDE40];
	v0 =	vadd.f32 v4, v0  }
0xfc: {  	v1 =	vadd.f32 v7, v1;
	v4 =	vld [tilespmem:s23+$0xE200]  }
0xfd: {  	v7 =	vld [tilespmem:s24+$0xDE80];
	v0 =	vadd.f32 v3, v0  }
0xfe: {  	v1 =	vadd.f32 v5, v1;
	v3 =	vld [tilespmem:s23+$0xE240]  }
0xff: {  	v5 =	vld [tilespmem:s24+$0xDEC0];
	v0 =	vadd.f32 v2, v0  }
0x100: {  	v1 =	vadd.f32 v6, v1;
	v2 =	vld [tilespmem:s23+$0xE280]  }
0x101: {  	v6 =	vld [tilespmem:s24+$0xDF00];
	v0 =	vadd.f32 v4, v0  }
0x102: {  	v1 =	vadd.f32 v7, v1;
	v4 =	vld [tilespmem:s23+$0xE2C0]  }
0x103: {  	v7 =	vld [tilespmem:s24+$0xDF40];
	v0 =	vadd.f32 v3, v0  }
0x104: {  	v1 =	vadd.f32 v5, v1;
	v3 =	vld [tilespmem:s23+$0xE300]  }
0x105: {  	v5 =	vld [tilespmem:s24+$0xDF80];
	v0 =	vadd.f32 v2, v0  }
0x106: {  	v1 =	vadd.f32 v6, v1;
	v2 =	vld [tilespmem:s23+$0xE340]  }
0x107: {  	v6 =	vld [tilespmem:s24+$0xDFC0];
	v0 =	vadd.f32 v4, v0  }
0x108: {  	v4 =	vadd.f32 v7, v1  }
.Ltmp3:
0x109: {  	v1 =	vld [tilespmem:s24+$0xE000];
	v3 =	vadd.f32 v3, v0;
	(pc) =	sbr.rel @p0 .LBB2_9-.Ltmp3, $4  }
0x10a: {  	v4 =	vadd.f32 v5, v4  }
0x10b: {  	v0 =	vld [tilespmem:s24+$0xE040];
	v5 =	vadd.f32 v2, v3  }
0x10c: {  	v3 =	vadd.f32 v6, v4  }
0x10d: {  	v2 =	vld [tilespmem:s24+$0xE080];
	[tilespmem:s23+$0xF380] =	vst v5;
	s23 =	smov.u32 s24;
	s24 =	sshra.s32 s25, $0x2;
	s25 =	sadd.s32 $0x40, s25  }
0x10e: {  	v4 =	vld [tilespmem:s24+$0xDD00]  }
0x10f: {  	v1 =	vadd.f32 v1, v3;
	v28 =	vld [tilespmem:s23+$0xE0C0]  }
0x110: {  	v5 =	vld [tilespmem:s24+$0xDD40]  }
0x111: {  	v29 =	vld [tilespmem:s23+$0xE100];
	v0 =	vadd.f32 v0, v1  }
0x112: {  	v6 =	vld [tilespmem:s24+$0xDD80]  }
0x113: {  	v31 =	vld [tilespmem:s23+$0xE140];
	v0 =	vadd.f32 v2, v0;
	v30 =	vadd.f32 $0.0e+00, v4  }
0x114: {  	v7 =	vld [tilespmem:s24+$0xDDC0]  }
0x115: {  	v32 =	vld [tilespmem:s23+$0xE180];
	v0 =	vadd.f32 v28, v0;
	v2 =	vadd.f32 v5, v30  }
0x116: {  	v33 =	vld [tilespmem:s24+$0xDE00]  }
0x117: {  	v35 =	vld [tilespmem:s23+$0xE1C0];
	v0 =	vadd.f32 v29, v0;
	v34 =	vadd.f32 v6, v2  }
0x118: {  	v36 =	vld [tilespmem:s24+$0xDE40]  }
0x119: {  	v37 =	vld [tilespmem:s23+$0xE200];
	v0 =	vadd.f32 v31, v0;
	v1 =	vadd.f32 v7, v34  }
0x11a: {  	v38 =	vld [tilespmem:s24+$0xDE80]  }
0x11b: {  	v39 =	vld [tilespmem:s23+$0xE240];
	v0 =	vadd.f32 v32, v0;
	v1 =	vadd.f32 v33, v1  }
0x11c: {  	v40 =	vld [tilespmem:s24+$0xDEC0]  }
0x11d: {  	v41 =	vld [tilespmem:s23+$0xE280];
	v0 =	vadd.f32 v35, v0;
	v1 =	vadd.f32 v36, v1  }
0x11e: {  	v42 =	vld [tilespmem:s24+$0xDF00]  }
0x11f: {  	v43 =	vld [tilespmem:s23+$0xE2C0];
	v0 =	vadd.f32 v37, v0;
	v1 =	vadd.f32 v38, v1  }
0x120: {  	v44 =	vld [tilespmem:s24+$0xDF40]  }
0x121: {  	v45 =	vld [tilespmem:s23+$0xE300];
	v0 =	vadd.f32 v39, v0;
	v1 =	vadd.f32 v40, v1  }
0x122: {  	v46 =	vld [tilespmem:s24+$0xDF80]  }
0x123: {  	v47 =	vld [tilespmem:s23+$0xE340];
	v0 =	vadd.f32 v41, v0;
	v1 =	vadd.f32 v42, v1  }
0x124: {  	v48 =	vld [tilespmem:s24+$0xDFC0]  }
0x125: {  	v0 =	vadd.f32 v43, v0;
	v1 =	vadd.f32 v44, v1  }
0x126: {  	v49 =	vld [tilespmem:s24+$0xE000]  }
0x127: {  	v0 =	vadd.f32 v45, v0;
	v1 =	vadd.f32 v46, v1  }
0x128: {  	v50 =	vld [tilespmem:s24+$0xE040]  }
0x129: {  	v0 =	vadd.f32 v47, v0;
	v1 =	vadd.f32 v48, v1  }
0x12a: {  	v51 =	vld [tilespmem:s24+$0xE080]  }
0x12b: {  	[tilespmem:s23+$0xF380] =	vst v0;
	v52 =	vadd.f32 v49, v1  }
0x12c: {  	v53 =	vld [tilespmem:s24+$0xE0C0]  }
0x12d: {  	v0 =	vadd.f32 v50, v52  }
0x12e: {  	v54 =	vld [tilespmem:s24+$0xE100]  }
0x12f: {  	v0 =	vadd.f32 v51, v0  }
0x130: {  	v55 =	vld [tilespmem:s24+$0xE140]  }
0x131: {  	v0 =	vadd.f32 v53, v0  }
0x132: {  	v56 =	vld [tilespmem:s24+$0xE180]  }
0x133: {  	v0 =	vadd.f32 v54, v0  }
0x134: {  	v57 =	vld [tilespmem:s24+$0xE1C0]  }
0x135: {  	v0 =	vadd.f32 v55, v0  }
0x136: {  	v58 =	vld [tilespmem:s24+$0xE200]  }
0x137: {  	v0 =	vadd.f32 v56, v0  }
0x138: {  	v59 =	vld [tilespmem:s24+$0xE240]  }
0x139: {  	v0 =	vadd.f32 v57, v0  }
0x13a: {  	v60 =	vld [tilespmem:s24+$0xE280]  }
0x13b: {  	v0 =	vadd.f32 v58, v0  }
0x13c: {  	v61 =	vld [tilespmem:s24+$0xE2C0]  }
0x13d: {  	v0 =	vadd.f32 v59, v0  }
0x13e: {  	v62 =	vld [tilespmem:s24+$0xE300]  }
0x13f: {  	v0 =	vadd.f32 v60, v0  }
0x140: {  	v63 =	vld [tilespmem:s24+$0xE340]  }
0x141: {  	v0 =	vadd.f32 v61, v0;
	_ =	sdelay $0x1  }
0x142: {  	v0 =	vadd.f32 v62, v0  }
0x143: {  	s29 =	sshll.u32 s22, $0x6  }
0x144: {  	s23 =	sadd.s32 s10, s29;
	v0 =	vadd.f32 v63, v0  }
0x145: {  	s25 =	sshll.u32 s23, $0x2  }
0x146: {  	s30 =	sadd.s32 s8, s25;
	[tilespmem:s24+$0xF380] =	vst v0  }
0x147: {  	[hbm4b:s30+s2] =	stream.linear.scatter [tilespmem:s18], [sflag:$0x3], $0x800, $0x38;
	[tilespmem:$0xF3C0] =	vst v63  }
0x148: {  	_ =	swait.ge [sflag:s13], $0x800  }
0x149: {  	[sflag:s13] =	ssyncset.done $0x0  }
0x14a: {  	s31 =	sadd.s32 s9, s25;
	[sflag:s13] =	ssyncadd.s32 $0xFFFFF800  }
0x14b: {  	[hbm4b:s31+s2] =	stream.linear.scatter [tilespmem:s19], [sflag:$0x3], $0x800, $0x38;
	[tilespmem:$0xF3C0] =	vst v63  }
0x14c: {  	s22 =	sadd.s32 $0x1, s22;
	_ =	swait.ge [sflag:s13], $0x800  }
0x14d: {  	p0 =	sne.s32 s22, $0x8;
	s23 =	sshrl.u32 s23, $0x3;
	[sflag:s13] =	ssyncset.done $0x0  }
.Ltmp4:
0x14e: {  	s23 =	sadd.s32 s1, s23;
	[sflag:s13] =	ssyncadd.s32 $0xFFFFF800;
	(pc) =	sbr.rel @p0 .LBB2_2-.Ltmp4, $4  }
0x14f: {  	[hbm4b:s23+s2] =	stream.linear.scatter [tilespmem:s20], [sflag:$0x3], $0x40, $0x38;
	[tilespmem:$0xF3C0] =	vst v63  }
0x150: {  	_ =	swait.ge [sflag:s13], $0x40  }
0x151: {  	[sflag:s13] =	ssyncset.done $0x0  }
0x152: {  	[sflag:s13] =	ssyncadd.s32 $0xFFFFFFC0  }
0x153: {  	s21 =	sadd.s32 $0x1, s21  }
0x154: {  	p0 =	sne.s32 s21, s12  }
.Ltmp5:
0x155: {  	_ = 	snop;
	(pc) =	sbr.rel @p0 .LBB2_1-.Ltmp5, $1  }
0x156: {  	_ =	sdelay $0x3  }
0x157: {  	_ =	sfence.sel $0x180000  }
0x158: {  	[bflag:$0x0] =	sbarrier.arrive $0xFFFF  }
0x159: {  	p0 =	sne.s32 s4, $0x0;
	_ =	strace $0x90000047  }
0x15a: {  	s0 =	sadd.s32 @!p0 $0x100000, s0;
	[bflag:$0x2] =	sbarrier.arrive $0xFFFF  }
0x15b: {  	[sflag:s0] =	ssyncadd.tile.s32 @!p0 $0x1;
	_ =	shalt  }
.Lfunc_end2:
_tile_overlayer_lowered:
.L_overlay_start_2:
0x15c: {  	(tag) =	ssettag $0x2  }
0x15d: {  	s0 =	rddreg [dreg:$0x0];
	s2 =	stileid.u32  }
0x15e: {  	s1 =	rddreg [dreg:$0x1];
	p0 =	sne.s32 s2, $0x0  }
0x15f: {  	s3 =	rddreg [dreg:$0x2];
	[bflag:$0x3] =	sbarrier.arrive $0xFFFF;
	s2 =	simm.s32 @!p0 $0x1C03  }
0x160: {  	[timem:s3], [sflag:s2] =	dma.local @!p0 [hbm:s0], s1  }
0x161: {  	s0 =	simm.s32 @!p0 $0x3  }
0x162: {  	_ =	swait.ge @!p0 [sflag:s0], s1  }
0x163: {  	s1 =	ssub.s32 @!p0 $0x0, s1;
	[sflag:s0] =	ssyncset.done @!p0 $0x0  }
0x164: {  	[sflag:s0] =	ssyncadd.s32 @!p0 s1  }
0x165: {  	[bflag:$0x3] =	sbarrier.arrive $0xFFFF  }
0x166: {  	_ =	shalt  }

</sc_bundles>
